<compile_context>
chip_gen: v7x
topology: tpu7x:2x2x1
jax: 0.10.2.dev20260603
libtpu: 0.0.44.dev20260713+nightly
codegen_flags: <defaults>
</compile_context>

<pallas_src>
import functools

import jax
import jax.numpy as jnp
from jax import lax
from jax.experimental import pallas as pl
from jax.experimental.pallas import tpu as pltpu
from jax.experimental.pallas import tpu_sc as plsc

N = 10000
NP = 10240
E = 320000
D = 128
C = 40
CP = 64
NW = 32
CPW = CP // NW
EPW = E // NW
NB = 512
CHUNK = 12800
L = 16

_sc_mesh = plsc.VectorSubcoreMesh(core_axis_name="c", subcore_axis_name="s")
_sc_params = pltpu.CompilerParams(needs_layout_passes=False)


def _wid():
    return lax.axis_index("c") * 16 + lax.axis_index("s")


@functools.partial(
    pl.kernel,
    out_type=jax.ShapeDtypeStruct((NW, NP), jnp.float32),
    mesh=_sc_mesh,
    compiler_params=_sc_params,
    scratch_types=[
        pltpu.VMEM((EPW,), jnp.int32),
        pltpu.VMEM((NP,), jnp.float32),
    ],
)
def _deg_parts(dst_hbm, parts_hbm, dbuf, acc):
    wid = _wid()
    zeros = jnp.zeros((L,), jnp.float32)

    def zbody(i, carry):
        acc[pl.ds(i * L, L)] = zeros
        return carry

    lax.fori_loop(0, NP // L, zbody, 0)

    pltpu.sync_copy(dst_hbm.at[pl.ds(wid * EPW, EPW)], dbuf)
    ones = jnp.ones((L,), jnp.float32)

    def body(i, carry):
        d16 = dbuf[pl.ds(i * L, L)]
        plsc.addupdate_scatter(acc, [d16], ones)
        return carry

    lax.fori_loop(0, EPW // L, body, 0)
    pltpu.sync_copy(acc, parts_hbm.at[wid])


UNROLL = 8


def _edge_loop(src_hbm, dst_hbm, sbuf, dbuf, inner):

    def chunk_body(k, carry):
        pltpu.sync_copy(src_hbm.at[pl.ds(k * CHUNK, CHUNK)], sbuf)
        pltpu.sync_copy(dst_hbm.at[pl.ds(k * CHUNK, CHUNK)], dbuf)

        def body(j, c2):
            for u in range(UNROLL):
                s16 = sbuf[pl.ds(j * (L * UNROLL) + u * L, L)]
                d16 = dbuf[pl.ds(j * (L * UNROLL) + u * L, L)]
                inner(s16, d16)
            return c2

        lax.fori_loop(0, CHUNK // (L * UNROLL), body, 0)
        return carry

    lax.fori_loop(0, E // CHUNK, chunk_body, 0)


@functools.partial(
    pl.kernel,
    out_type=jax.ShapeDtypeStruct((CP, NP), jnp.float32),
    mesh=_sc_mesh,
    compiler_params=_sc_params,
    scratch_types=[
        pltpu.VMEM((CPW, NP), jnp.float32),
        pltpu.VMEM((CPW, NP), jnp.float32),
        pltpu.VMEM((CHUNK,), jnp.int32),
        pltpu.VMEM((CHUNK,), jnp.int32),
    ],
)
def _hop1(y_hbm, src_hbm, dst_hbm, z_hbm, ybuf, acc, sbuf, dbuf):
    c0 = _wid() * CPW
    pltpu.sync_copy(y_hbm.at[pl.ds(c0, CPW)], ybuf)
    pltpu.sync_copy(y_hbm.at[pl.ds(c0, CPW)], acc)
    cols = [jnp.full((L,), ci, jnp.int32) for ci in range(CPW)]

    def inner(s16, d16):
        for ci in range(CPW):
            v = plsc.load_gather(ybuf, [cols[ci], s16])
            plsc.addupdate_scatter(acc, [cols[ci], d16], v)

    _edge_loop(src_hbm, dst_hbm, sbuf, dbuf, inner)
    pltpu.sync_copy(acc, z_hbm.at[pl.ds(c0, CPW)])


@functools.partial(
    pl.kernel,
    out_type=jax.ShapeDtypeStruct((CP, NP), jnp.float32),
    mesh=_sc_mesh,
    compiler_params=_sc_params,
    scratch_types=[
        pltpu.VMEM((CPW, NP), jnp.float32),
        pltpu.VMEM((CPW, NP), jnp.float32),
        pltpu.VMEM((NP,), jnp.float32),
        pltpu.VMEM((CHUNK,), jnp.int32),
        pltpu.VMEM((CHUNK,), jnp.int32),
    ],
)
def _hop2(z1_hbm, src_hbm, dst_hbm, dis2_hbm, z_hbm, zbuf, acc, d2buf, sbuf, dbuf):
    c0 = _wid() * CPW
    pltpu.sync_copy(z1_hbm.at[pl.ds(c0, CPW)], zbuf)
    pltpu.sync_copy(dis2_hbm, d2buf)
    def init_body(i, carry):
        w = d2buf[pl.ds(i * L, L)]
        for ci in range(CPW):
            acc[ci, pl.ds(i * L, L)] = zbuf[ci, pl.ds(i * L, L)] * w
        return carry

    lax.fori_loop(0, NP // L, init_body, 0)
    cols = [jnp.full((L,), ci, jnp.int32) for ci in range(CPW)]

    def inner(s16, d16):
        g = plsc.load_gather(d2buf, [s16])
        for ci in range(CPW):
            v = plsc.load_gather(zbuf, [cols[ci], s16]) * g
            plsc.addupdate_scatter(acc, [cols[ci], d16], v)

    _edge_loop(src_hbm, dst_hbm, sbuf, dbuf, inner)
    pltpu.sync_copy(acc, z_hbm.at[pl.ds(c0, CPW)])


def _tc1_body(x_ref, wt_ref, parts_ref, y_ref, dis_ref, dis2_ref):
    deg = 1.0 + jnp.sum(parts_ref[...], axis=0, keepdims=True)
    dis = lax.rsqrt(deg)
    yt = lax.dot_general(
        wt_ref[...], x_ref[...], (((1,), (1,)), ((), ())),
        preferred_element_type=jnp.float32,
    )
    y_ref[...] = yt * dis
    dis_ref[...] = dis
    dis2_ref[...] = 1.0 / deg


def _tc1(x_pad, wt, parts):
    return pl.pallas_call(
        _tc1_body,
        grid=(NP // NB,),
        in_specs=[
            pl.BlockSpec((NB, D), lambda i: (i, 0)),
            pl.BlockSpec((CP, D), lambda i: (0, 0)),
            pl.BlockSpec((NW, NB), lambda i: (0, i)),
        ],
        out_specs=[
            pl.BlockSpec((CP, NB), lambda i: (0, i)),
            pl.BlockSpec((1, NB), lambda i: (0, i)),
            pl.BlockSpec((1, NB), lambda i: (0, i)),
        ],
        out_shape=[
            jax.ShapeDtypeStruct((CP, NP), jnp.float32),
            jax.ShapeDtypeStruct((1, NP), jnp.float32),
            jax.ShapeDtypeStruct((1, NP), jnp.float32),
        ],
    )(x_pad, wt, parts)


def _tc3_body(z_ref, dis_ref, b_ref, o_ref):
    o = (z_ref[...] * dis_ref[...]).T + b_ref[...]
    m = jnp.max(o, axis=1, keepdims=True)
    lse = m + jnp.log(jnp.sum(jnp.exp(o - m), axis=1, keepdims=True))
    o_ref[...] = o - lse


def _tc3(z2, dis, b_pad):
    return pl.pallas_call(
        _tc3_body,
        grid=(NP // NB,),
        in_specs=[
            pl.BlockSpec((CP, NB), lambda i: (0, i)),
            pl.BlockSpec((1, NB), lambda i: (0, i)),
            pl.BlockSpec((1, CP), lambda i: (0, 0)),
        ],
        out_specs=pl.BlockSpec((NB, CP), lambda i: (i, 0)),
        out_shape=jax.ShapeDtypeStruct((NP, CP), jnp.float32),
    )(z2, dis, b_pad)


@jax.jit
def kernel(x, edge_index, W, b):
    src = edge_index[0].astype(jnp.int32)
    dst = edge_index[1].astype(jnp.int32)
    x_pad = jnp.zeros((NP, D), jnp.float32).at[:N].set(x)
    wt = jnp.zeros((CP, D), jnp.float32).at[:C].set(W.T)
    b_pad = jnp.full((1, CP), -1e30, jnp.float32).at[0, :C].set(b)

    parts = _deg_parts(dst)
    y0, dis, dis2 = _tc1(x_pad, wt, parts)
    z1 = _hop1(y0, src, dst)
    z2 = _hop2(z1, src, dst, dis2.reshape(NP))
    out = _tc3(z2, dis, b_pad)
    return out[:N, :C]

# --- scband reference (transcript-rebuilt; emitter-appended) ---
"""Pipeline reference for scband-net-11862699671772 (READ-ONLY COPY).

The authoritative reference and input builder live on the scoring server;
editing this copy changes nothing except your own understanding.
"""

import jax, jax.numpy as jnp
import numpy as np

N_NODES = 10000
N_EDGES = 320000
D_FEAT = 128
N_CLASSES = 40
K_HOPS = 2


def setup_inputs(seed: int = 0) -> dict:
    key = jax.random.key(seed)
    k1, k2, k3 = jax.random.split(key, 3)
    x = jax.random.normal(k1, (N_NODES, D_FEAT), dtype=jnp.float32)
    edge_index = jax.random.randint(k2, (2, N_EDGES), 0, N_NODES, dtype=jnp.int64)
    W = jax.random.normal(k3, (D_FEAT, N_CLASSES), dtype=jnp.float32) * (1.0 / np.sqrt(D_FEAT))
    b = jnp.zeros((N_CLASSES,), dtype=jnp.float32)
    return {"x": x, "edge_index": edge_index, "W": W, "b": b}


def reference(x, edge_index, W, b):
    # SGConv: x' = (D^-1/2 (A+I) D^-1/2)^K x, then linear, then log_softmax
    N = x.shape[0]
    src = edge_index[0]
    dst = edge_index[1]
    loop = jnp.arange(N, dtype=edge_index.dtype)
    src = jnp.concatenate([src, loop])
    dst = jnp.concatenate([dst, loop])
    # symmetric gcn normalization
    deg = jnp.zeros((N,), dtype=x.dtype).at[dst].add(1.0)
    deg_inv_sqrt = jnp.where(deg > 0, deg ** -0.5, 0.0)
    norm = deg_inv_sqrt[src] * deg_inv_sqrt[dst]
    h = x
    for _ in range(K_HOPS):
        msg = h[src] * norm[:, None]
        h = jax.ops.segment_sum(msg, dst, num_segments=N)
    out = h @ W + b
    return jax.nn.log_softmax(out, axis=1)

if __name__ == "__main__":
    import jax
    _d = setup_inputs()
    print(jax.jit(kernel)(*tuple(_d.values())))

</pallas_src>

<mosaic_0001>
#map = affine_map<(d0, d1) -> (0)>
#map1 = affine_map<(d0, d1) -> (0, 0)>
module attributes {stable_mosaic.version = 14 : i64} {
  func.func @_deg_parts(%arg0: i32, %arg1: i32, %arg2: memref<320000xi32, #tpu.memory_space<hbm>>, %arg3: memref<32x10240xf32, #tpu.memory_space<hbm>>, %arg4: memref<10000xi32, #tpu.memory_space<vmem>>, %arg5: memref<10240xf32, #tpu.memory_space<vmem>>) attributes {dimension_semantics = [#tpu.dimension_semantics<core_parallel>, #tpu.dimension_semantics<subcore_parallel>], iteration_bounds = array<i64: 2, 16>, scalar_prefetch = 0 : i64, scratch_operands = 2 : i64, tpu.core_type = #tpu.core_type<sc_vector_subcore>, window_params = [{transform_indices = #map}, {transform_indices = #map1}]} {
    %mul3A = arith.constant 16 : i32
    %mul3A_0 = arith.muli %arg0, %mul3A : i32
    %add3A = arith.addi %mul3A_0, %arg1 : i32
    %broadcast_in_dim3A = arith.constant 0.000000e+00 : f32
    %broadcast_in_dim3A_1 = vector.broadcast %broadcast_in_dim3A : f32 to vector<16xf32>
    %scan3A = arith.constant 0 : i32
    %scan3A_2 = arith.constant 0 : i32
    %scan3A_3 = arith.constant 640 : i32
    %scan3A_4 = arith.addi %scan3A_2, %scan3A_3 : i32
    %scan3A_5 = arith.constant 1 : i32
    scf.for %scan3A_17 = %scan3A_2 to %scan3A_4 step %scan3A_5  : i32 {
      %mul3A_18 = arith.constant 16 : i32
      %mul3A_19 = arith.muli %scan3A_17, %mul3A_18 : i32
      %swap3A = arith.index_cast %mul3A_19 : i32 to index
      %swap3A_20 = tpu.vector_load %arg5[%swap3A] {strides = array<i32>} : memref<10240xf32, #tpu.memory_space<vmem>>, vector<16xf32>,
      tpu.vector_store %arg5[%swap3A], %broadcast_in_dim3A_1 {strides = array<i32>} : memref<10240xf32, #tpu.memory_space<vmem>>, vector<16xf32>,
    }
    %scan3A_6 = arith.constant 640 : i32
    %mul3A_7 = arith.constant 10000 : i32
    %mul3A_8 = arith.muli %add3A, %mul3A_7 : i32
    "tpu.region"() ({
      %run_scoped3A = tpu.sem_alloc : memref<!tpu.dma_semaphore, #tpu.memory_space<semaphore_mem>>
      %dma_start3A = tpu.memref_slice %arg2[%mul3A_8] : memref<320000xi32, #tpu.memory_space<hbm>> -> memref<10000xi32, #tpu.memory_space<hbm>>
      %dma_start3A_17 = tpu.memref_slice %arg2[%mul3A_8] : memref<320000xi32, #tpu.memory_space<hbm>> -> memref<10000xi32, #tpu.memory_space<hbm>>
      tpu.enqueue_dma source(%dma_start3A_17 : memref<10000xi32, #tpu.memory_space<hbm>>) target(%arg4 : memref<10000xi32, #tpu.memory_space<vmem>>) target_semaphore(%run_scoped3A : memref<!tpu.dma_semaphore, #tpu.memory_space<semaphore_mem>>)
      %dma_wait3A = tpu.memref_slice %arg2[%mul3A_8] : memref<320000xi32, #tpu.memory_space<hbm>> -> memref<10000xi32, #tpu.memory_space<hbm>>
      %dma_wait3A_18 = tpu.memref_slice %arg2[%mul3A_8] : memref<320000xi32, #tpu.memory_space<hbm>> -> memref<10000xi32, #tpu.memory_space<hbm>>
      tpu.wait_dma2 semaphore(%run_scoped3A : memref<!tpu.dma_semaphore, #tpu.memory_space<semaphore_mem>>) src(%dma_wait3A_18 : memref<10000xi32, #tpu.memory_space<hbm>>) dst(%arg4 : memref<10000xi32, #tpu.memory_space<vmem>>)
      tpu.yield
    }) : () -> ()
    %broadcast_in_dim3A_9 = arith.constant 1.000000e+00 : f32
    %broadcast_in_dim3A_10 = vector.broadcast %broadcast_in_dim3A_9 : f32 to vector<16xf32>
    %scan3A_11 = arith.constant 0 : i32
    %scan3A_12 = arith.constant 0 : i32
    %scan3A_13 = arith.constant 625 : i32
    %scan3A_14 = arith.addi %scan3A_12, %scan3A_13 : i32
    %scan3A_15 = arith.constant 1 : i32
    scf.for %scan3A_17 = %scan3A_12 to %scan3A_14 step %scan3A_15  : i32 {
      %mul3A_18 = arith.constant 16 : i32
      %mul3A_19 = arith.muli %scan3A_17, %mul3A_18 : i32
      %get3A = arith.index_cast %mul3A_19 : i32 to index
      %get3A_20 = tpu.vector_load %arg4[%get3A] {strides = array<i32>} : memref<10000xi32, #tpu.memory_space<vmem>>, vector<16xi32>,
      tpu.vector_store_idx %arg5[%get3A_20], %broadcast_in_dim3A_10 {add = true} : memref<10240xf32, #tpu.memory_space<vmem>>[vector<16xi32>], vector<16xf32>,
    }
    %scan3A_16 = arith.constant 625 : i32
    "tpu.region"() ({
      %run_scoped3A = tpu.sem_alloc : memref<!tpu.dma_semaphore, #tpu.memory_space<semaphore_mem>>
      %dma_start3A = arith.constant 0 : i32
      %dma_start3A_17 = tpu.memref_slice %arg3[%add3A, %dma_start3A] : memref<32x10240xf32, #tpu.memory_space<hbm>> -> memref<1x10240xf32, #tpu.memory_space<hbm>>
      %dma_start3A_18 = tpu.memref_squeeze %dma_start3A_17 : memref<1x10240xf32, #tpu.memory_space<hbm>> -> memref<10240xf32, #tpu.memory_space<hbm>>
      %dma_start3A_19 = arith.constant 0 : i32
      %dma_start3A_20 = tpu.memref_slice %arg3[%add3A, %dma_start3A_19] : memref<32x10240xf32, #tpu.memory_space<hbm>> -> memref<1x10240xf32, #tpu.memory_space<hbm>>
      %dma_start3A_21 = tpu.memref_squeeze %dma_start3A_20 : memref<1x10240xf32, #tpu.memory_space<hbm>> -> memref<10240xf32, #tpu.memory_space<hbm>>
      tpu.enqueue_dma source(%arg5 : memref<10240xf32, #tpu.memory_space<vmem>>) target(%dma_start3A_21 : memref<10240xf32, #tpu.memory_space<hbm>>) target_semaphore(%run_scoped3A : memref<!tpu.dma_semaphore, #tpu.memory_space<semaphore_mem>>)
      %dma_wait3A = arith.constant 0 : i32
      %dma_wait3A_22 = tpu.memref_slice %arg3[%add3A, %dma_wait3A] : memref<32x10240xf32, #tpu.memory_space<hbm>> -> memref<1x10240xf32, #tpu.memory_space<hbm>>
      %dma_wait3A_23 = tpu.memref_squeeze %dma_wait3A_22 : memref<1x10240xf32, #tpu.memory_space<hbm>> -> memref<10240xf32, #tpu.memory_space<hbm>>
      %dma_wait3A_24 = arith.constant 0 : i32
      %dma_wait3A_25 = tpu.memref_slice %arg3[%add3A, %dma_wait3A_24] : memref<32x10240xf32, #tpu.memory_space<hbm>> -> memref<1x10240xf32, #tpu.memory_space<hbm>>
      %dma_wait3A_26 = tpu.memref_squeeze %dma_wait3A_25 : memref<1x10240xf32, #tpu.memory_space<hbm>> -> memref<10240xf32, #tpu.memory_space<hbm>>
      tpu.wait_dma2 semaphore(%run_scoped3A : memref<!tpu.dma_semaphore, #tpu.memory_space<semaphore_mem>>) src(%arg5 : memref<10240xf32, #tpu.memory_space<vmem>>) dst(%dma_wait3A_26 : memref<10240xf32, #tpu.memory_space<hbm>>)
      tpu.yield
    }) : () -> ()
    return
  }
}

#map = affine_map<(d0, d1) -> (0, 0)>
#map1 = affine_map<(d0, d1) -> (0)>
module attributes {stable_mosaic.version = 14 : i64} {
  func.func @_hop2(%arg0: i32, %arg1: i32, %arg2: memref<64x10240xf32, #tpu.memory_space<hbm>>, %arg3: memref<320000xi32, #tpu.memory_space<hbm>>, %arg4: memref<320000xi32, #tpu.memory_space<hbm>>, %arg5: memref<10240xf32, #tpu.memory_space<hbm>>, %arg6: memref<64x10240xf32, #tpu.memory_space<hbm>>, %arg7: memref<2x10240xf32, #tpu.memory_space<vmem>>, %arg8: memref<2x10240xf32, #tpu.memory_space<vmem>>, %arg9: memref<10240xf32, #tpu.memory_space<vmem>>, %arg10: memref<12800xi32, #tpu.memory_space<vmem>>, %arg11: memref<12800xi32, #tpu.memory_space<vmem>>) attributes {dimension_semantics = [#tpu.dimension_semantics<core_parallel>, #tpu.dimension_semantics<subcore_parallel>], iteration_bounds = array<i64: 2, 16>, scalar_prefetch = 0 : i64, scratch_operands = 5 : i64, tpu.core_type = #tpu.core_type<sc_vector_subcore>, window_params = [{transform_indices = #map}, {transform_indices = #map1}, {transform_indices = #map1}, {transform_indices = #map1}, {transform_indices = #map}]} {
    %mul3A = arith.constant 16 : i32
    %mul3A_0 = arith.muli %arg0, %mul3A : i32
    %add3A = arith.addi %mul3A_0, %arg1 : i32
    %mul3A_1 = arith.constant 2 : i32
    %mul3A_2 = arith.muli %add3A, %mul3A_1 : i32
    "tpu.region"() ({
      %run_scoped3A = tpu.sem_alloc : memref<!tpu.dma_semaphore, #tpu.memory_space<semaphore_mem>>
      %dma_start3A = arith.constant 0 : i32
      %dma_start3A_17 = tpu.memref_slice %arg2[%mul3A_2, %dma_start3A] : memref<64x10240xf32, #tpu.memory_space<hbm>> -> memref<2x10240xf32, #tpu.memory_space<hbm>>
      %dma_start3A_18 = arith.constant 0 : i32
      %dma_start3A_19 = tpu.memref_slice %arg2[%mul3A_2, %dma_start3A_18] : memref<64x10240xf32, #tpu.memory_space<hbm>> -> memref<2x10240xf32, #tpu.memory_space<hbm>>
      tpu.enqueue_dma source(%dma_start3A_19 : memref<2x10240xf32, #tpu.memory_space<hbm>>) target(%arg7 : memref<2x10240xf32, #tpu.memory_space<vmem>>) target_semaphore(%run_scoped3A : memref<!tpu.dma_semaphore, #tpu.memory_space<semaphore_mem>>)
      %dma_wait3A = arith.constant 0 : i32
      %dma_wait3A_20 = tpu.memref_slice %arg2[%mul3A_2, %dma_wait3A] : memref<64x10240xf32, #tpu.memory_space<hbm>> -> memref<2x10240xf32, #tpu.memory_space<hbm>>
      %dma_wait3A_21 = arith.constant 0 : i32
      %dma_wait3A_22 = tpu.memref_slice %arg2[%mul3A_2, %dma_wait3A_21] : memref<64x10240xf32, #tpu.memory_space<hbm>> -> memref<2x10240xf32, #tpu.memory_space<hbm>>
      tpu.wait_dma2 semaphore(%run_scoped3A : memref<!tpu.dma_semaphore, #tpu.memory_space<semaphore_mem>>) src(%dma_wait3A_22 : memref<2x10240xf32, #tpu.memory_space<hbm>>) dst(%arg7 : memref<2x10240xf32, #tpu.memory_space<vmem>>)
      tpu.yield
    }) : () -> ()
    "tpu.region"() ({
      %run_scoped3A = tpu.sem_alloc : memref<!tpu.dma_semaphore, #tpu.memory_space<semaphore_mem>>
      tpu.enqueue_dma source(%arg5 : memref<10240xf32, #tpu.memory_space<hbm>>) target(%arg9 : memref<10240xf32, #tpu.memory_space<vmem>>) target_semaphore(%run_scoped3A : memref<!tpu.dma_semaphore, #tpu.memory_space<semaphore_mem>>)
      tpu.wait_dma2 semaphore(%run_scoped3A : memref<!tpu.dma_semaphore, #tpu.memory_space<semaphore_mem>>) src(%arg5 : memref<10240xf32, #tpu.memory_space<hbm>>) dst(%arg9 : memref<10240xf32, #tpu.memory_space<vmem>>)
      tpu.yield
    }) : () -> ()
    %scan3A = arith.constant 0 : i32
    %scan3A_3 = arith.constant 0 : i32
    %scan3A_4 = arith.constant 640 : i32
    %scan3A_5 = arith.addi %scan3A_3, %scan3A_4 : i32
    %scan3A_6 = arith.constant 1 : i32
    scf.for %scan3A_17 = %scan3A_3 to %scan3A_5 step %scan3A_6  : i32 {
      %mul3A_18 = arith.constant 16 : i32
      %mul3A_19 = arith.muli %scan3A_17, %mul3A_18 : i32
      %get3A = arith.index_cast %mul3A_19 : i32 to index
      %get3A_20 = tpu.vector_load %arg9[%get3A] {strides = array<i32>} : memref<10240xf32, #tpu.memory_space<vmem>>, vector<16xf32>,
      %mul3A_21 = arith.constant 16 : i32
      %mul3A_22 = arith.muli %scan3A_17, %mul3A_21 : i32
      %get3A_23 = arith.constant 0 : i32
      %get3A_24 = arith.index_cast %get3A_23 : i32 to index
      %get3A_25 = arith.index_cast %mul3A_22 : i32 to index
      %get3A_26 = tpu.vector_load %arg7[%get3A_24, %get3A_25] {strides = array<i32>} : memref<2x10240xf32, #tpu.memory_space<vmem>>, vector<16xf32>,
      %mul3A_27 = arith.mulf %get3A_26, %get3A_20 : vector<16xf32>
      %mul3A_28 = arith.constant 16 : i32
      %mul3A_29 = arith.muli %scan3A_17, %mul3A_28 : i32
      %swap3A = arith.constant 0 : i32
      %swap3A_30 = arith.index_cast %swap3A : i32 to index
      %swap3A_31 = arith.index_cast %mul3A_29 : i32 to index
      %swap3A_32 = tpu.vector_load %arg8[%swap3A_30, %swap3A_31] {strides = array<i32>} : memref<2x10240xf32, #tpu.memory_space<vmem>>, vector<16xf32>,
      tpu.vector_store %arg8[%swap3A_30, %swap3A_31], %mul3A_27 {strides = array<i32>} : memref<2x10240xf32, #tpu.memory_space<vmem>>, vector<16xf32>,
      %mul3A_33 = arith.constant 16 : i32
      %mul3A_34 = arith.muli %scan3A_17, %mul3A_33 : i32
      %get3A_35 = arith.constant 1 : i32
      %get3A_36 = arith.index_cast %get3A_35 : i32 to index
      %get3A_37 = arith.index_cast %mul3A_34 : i32 to index
      %get3A_38 = tpu.vector_load %arg7[%get3A_36, %get3A_37] {strides = array<i32>} : memref<2x10240xf32, #tpu.memory_space<vmem>>, vector<16xf32>,
      %mul3A_39 = arith.mulf %get3A_38, %get3A_20 : vector<16xf32>
      %mul3A_40 = arith.constant 16 : i32
      %mul3A_41 = arith.muli %scan3A_17, %mul3A_40 : i32
      %swap3A_42 = arith.constant 1 : i32
      %swap3A_43 = arith.index_cast %swap3A_42 : i32 to index
      %swap3A_44 = arith.index_cast %mul3A_41 : i32 to index
      %swap3A_45 = tpu.vector_load %arg8[%swap3A_43, %swap3A_44] {strides = array<i32>} : memref<2x10240xf32, #tpu.memory_space<vmem>>, vector<16xf32>,
      tpu.vector_store %arg8[%swap3A_43, %swap3A_44], %mul3A_39 {strides = array<i32>} : memref<2x10240xf32, #tpu.memory_space<vmem>>, vector<16xf32>,
    }
    %scan3A_7 = arith.constant 640 : i32
    %broadcast_in_dim3A = arith.constant 0 : i32
    %broadcast_in_dim3A_8 = vector.broadcast %broadcast_in_dim3A : i32 to vector<16xi32>
    %broadcast_in_dim3A_9 = arith.constant 1 : i32
    %broadcast_in_dim3A_10 = vector.broadcast %broadcast_in_dim3A_9 : i32 to vector<16xi32>
    %scan3A_11 = arith.constant 0 : i32
    %scan3A_12 = arith.constant 0 : i32
    %scan3A_13 = arith.constant 25 : i32
    %scan3A_14 = arith.addi %scan3A_12, %scan3A_13 : i32
    %scan3A_15 = arith.constant 1 : i32
    scf.for %scan3A_17 = %scan3A_12 to %scan3A_14 step %scan3A_15  : i32 {
      %mul3A_18 = arith.constant 12800 : i32
      %mul3A_19 = arith.muli %scan3A_17, %mul3A_18 : i32
      "tpu.region"() ({
        %run_scoped3A = tpu.sem_alloc : memref<!tpu.dma_semaphore, #tpu.memory_space<semaphore_mem>>
        %dma_start3A = tpu.memref_slice %arg3[%mul3A_19] : memref<320000xi32, #tpu.memory_space<hbm>> -> memref<12800xi32, #tpu.memory_space<hbm>>
        %dma_start3A_28 = tpu.memref_slice %arg3[%mul3A_19] : memref<320000xi32, #tpu.memory_space<hbm>> -> memref<12800xi32, #tpu.memory_space<hbm>>
        tpu.enqueue_dma source(%dma_start3A_28 : memref<12800xi32, #tpu.memory_space<hbm>>) target(%arg10 : memref<12800xi32, #tpu.memory_space<vmem>>) target_semaphore(%run_scoped3A : memref<!tpu.dma_semaphore, #tpu.memory_space<semaphore_mem>>)
        %dma_wait3A = tpu.memref_slice %arg3[%mul3A_19] : memref<320000xi32, #tpu.memory_space<hbm>> -> memref<12800xi32, #tpu.memory_space<hbm>>
        %dma_wait3A_29 = tpu.memref_slice %arg3[%mul3A_19] : memref<320000xi32, #tpu.memory_space<hbm>> -> memref<12800xi32, #tpu.memory_space<hbm>>
        tpu.wait_dma2 semaphore(%run_scoped3A : memref<!tpu.dma_semaphore, #tpu.memory_space<semaphore_mem>>) src(%dma_wait3A_29 : memref<12800xi32, #tpu.memory_space<hbm>>) dst(%arg10 : memref<12800xi32, #tpu.memory_space<vmem>>)
        tpu.yield
      }) : () -> ()
      %mul3A_20 = arith.constant 12800 : i32
      %mul3A_21 = arith.muli %scan3A_17, %mul3A_20 : i32
      "tpu.region"() ({
        %run_scoped3A = tpu.sem_alloc : memref<!tpu.dma_semaphore, #tpu.memory_space<semaphore_mem>>
        %dma_start3A = tpu.memref_slice %arg4[%mul3A_21] : memref<320000xi32, #tpu.memory_space<hbm>> -> memref<12800xi32, #tpu.memory_space<hbm>>
        %dma_start3A_28 = tpu.memref_slice %arg4[%mul3A_21] : memref<320000xi32, #tpu.memory_space<hbm>> -> memref<12800xi32, #tpu.memory_space<hbm>>
        tpu.enqueue_dma source(%dma_start3A_28 : memref<12800xi32, #tpu.memory_space<hbm>>) target(%arg11 : memref<12800xi32, #tpu.memory_space<vmem>>) target_semaphore(%run_scoped3A : memref<!tpu.dma_semaphore, #tpu.memory_space<semaphore_mem>>)
        %dma_wait3A = tpu.memref_slice %arg4[%mul3A_21] : memref<320000xi32, #tpu.memory_space<hbm>> -> memref<12800xi32, #tpu.memory_space<hbm>>
        %dma_wait3A_29 = tpu.memref_slice %arg4[%mul3A_21] : memref<320000xi32, #tpu.memory_space<hbm>> -> memref<12800xi32, #tpu.memory_space<hbm>>
        tpu.wait_dma2 semaphore(%run_scoped3A : memref<!tpu.dma_semaphore, #tpu.memory_space<semaphore_mem>>) src(%dma_wait3A_29 : memref<12800xi32, #tpu.memory_space<hbm>>) dst(%arg11 : memref<12800xi32, #tpu.memory_space<vmem>>)
        tpu.yield
      }) : () -> ()
      %scan3A_22 = arith.constant 0 : i32
      %scan3A_23 = arith.constant 0 : i32
      %scan3A_24 = arith.constant 100 : i32
      %scan3A_25 = arith.addi %scan3A_23, %scan3A_24 : i32
      %scan3A_26 = arith.constant 1 : i32
      scf.for %scan3A_28 = %scan3A_23 to %scan3A_25 step %scan3A_26  : i32 {
        %mul3A_29 = arith.constant 128 : i32
        %mul3A_30 = arith.muli %scan3A_28, %mul3A_29 : i32
        %add3A_31 = arith.constant 0 : i32
        %add3A_32 = arith.addi %mul3A_30, %add3A_31 : i32
        %get3A = arith.index_cast %add3A_32 : i32 to index
        %get3A_33 = tpu.vector_load %arg10[%get3A] {strides = array<i32>} : memref<12800xi32, #tpu.memory_space<vmem>>, vector<16xi32>,
        %mul3A_34 = arith.constant 128 : i32
        %mul3A_35 = arith.muli %scan3A_28, %mul3A_34 : i32
        %add3A_36 = arith.constant 0 : i32
        %add3A_37 = arith.addi %mul3A_35, %add3A_36 : i32
        %get3A_38 = arith.index_cast %add3A_37 : i32 to index
        %get3A_39 = tpu.vector_load %arg11[%get3A_38] {strides = array<i32>} : memref<12800xi32, #tpu.memory_space<vmem>>, vector<16xi32>,
        %gather3A = tpu.vector_load_idx %arg9[%get3A_33] : memref<10240xf32, #tpu.memory_space<vmem>>[vector<16xi32>], vector<16xf32>,
        %gather3A_40 = tpu.vector_load_idx %arg7[%broadcast_in_dim3A_8, %get3A_33] : memref<2x10240xf32, #tpu.memory_space<vmem>>[vector<16xi32>, vector<16xi32>], vector<16xf32>,
        %mul3A_41 = arith.mulf %gather3A_40, %gather3A : vector<16xf32>
        tpu.vector_store_idx %arg8[%broadcast_in_dim3A_8, %get3A_39], %mul3A_41 {add = true} : memref<2x10240xf32, #tpu.memory_space<vmem>>[vector<16xi32>, vector<16xi32>], vector<16xf32>,
        %gather3A_42 = tpu.vector_load_idx %arg7[%broadcast_in_dim3A_10, %get3A_33] : memref<2x10240xf32, #tpu.memory_space<vmem>>[vector<16xi32>, vector<16xi32>], vector<16xf32>,
        %mul3A_43 = arith.mulf %gather3A_42, %gather3A : vector<16xf32>
        tpu.vector_store_idx %arg8[%broadcast_in_dim3A_10, %get3A_39], %mul3A_43 {add = true} : memref<2x10240xf32, #tpu.memory_space<vmem>>[vector<16xi32>, vector<16xi32>], vector<16xf32>,
        %mul3A_44 = arith.constant 128 : i32
        %mul3A_45 = arith.muli %scan3A_28, %mul3A_44 : i32
        %add3A_46 = arith.constant 16 : i32
        %add3A_47 = arith.addi %mul3A_45, %add3A_46 : i32
        %get3A_48 = arith.index_cast %add3A_47 : i32 to index
        %get3A_49 = tpu.vector_load %arg10[%get3A_48] {strides = array<i32>} : memref<12800xi32, #tpu.memory_space<vmem>>, vector<16xi32>,
        %mul3A_50 = arith.constant 128 : i32
        %mul3A_51 = arith.muli %scan3A_28, %mul3A_50 : i32
        %add3A_52 = arith.constant 16 : i32
        %add3A_53 = arith.addi %mul3A_51, %add3A_52 : i32
        %get3A_54 = arith.index_cast %add3A_53 : i32 to index
        %get3A_55 = tpu.vector_load %arg11[%get3A_54] {strides = array<i32>} : memref<12800xi32, #tpu.memory_space<vmem>>, vector<16xi32>,
        %gather3A_56 = tpu.vector_load_idx %arg9[%get3A_49] : memref<10240xf32, #tpu.memory_space<vmem>>[vector<16xi32>], vector<16xf32>,
        %gather3A_57 = tpu.vector_load_idx %arg7[%broadcast_in_dim3A_8, %get3A_49] : memref<2x10240xf32, #tpu.memory_space<vmem>>[vector<16xi32>, vector<16xi32>], vector<16xf32>,
        %mul3A_58 = arith.mulf %gather3A_57, %gather3A_56 : vector<16xf32>
        tpu.vector_store_idx %arg8[%broadcast_in_dim3A_8, %get3A_55], %mul3A_58 {add = true} : memref<2x10240xf32, #tpu.memory_space<vmem>>[vector<16xi32>, vector<16xi32>], vector<16xf32>,
        %gather3A_59 = tpu.vector_load_idx %arg7[%broadcast_in_dim3A_10, %get3A_49] : memref<2x10240xf32, #tpu.memory_space<vmem>>[vector<16xi32>, vector<16xi32>], vector<16xf32>,
        %mul3A_60 = arith.mulf %gather3A_59, %gather3A_56 : vector<16xf32>
        tpu.vector_store_idx %arg8[%broadcast_in_dim3A_10, %get3A_55], %mul3A_60 {add = true} : memref<2x10240xf32, #tpu.memory_space<vmem>>[vector<16xi32>, vector<16xi32>], vector<16xf32>,
        %mul3A_61 = arith.constant 128 : i32
        %mul3A_62 = arith.muli %scan3A_28, %mul3A_61 : i32
        %add3A_63 = arith.constant 32 : i32
        %add3A_64 = arith.addi %mul3A_62, %add3A_63 : i32
        %get3A_65 = arith.index_cast %add3A_64 : i32 to index
        %get3A_66 = tpu.vector_load %arg10[%get3A_65] {strides = array<i32>} : memref<12800xi32, #tpu.memory_space<vmem>>, vector<16xi32>,
        %mul3A_67 = arith.constant 128 : i32
        %mul3A_68 = arith.muli %scan3A_28, %mul3A_67 : i32
        %add3A_69 = arith.constant 32 : i32
        %add3A_70 = arith.addi %mul3A_68, %add3A_69 : i32
        %get3A_71 = arith.index_cast %add3A_70 : i32 to index
        %get3A_72 = tpu.vector_load %arg11[%get3A_71] {strides = array<i32>} : memref<12800xi32, #tpu.memory_space<vmem>>, vector<16xi32>,
        %gather3A_73 = tpu.vector_load_idx %arg9[%get3A_66] : memref<10240xf32, #tpu.memory_space<vmem>>[vector<16xi32>], vector<16xf32>,
        %gather3A_74 = tpu.vector_load_idx %arg7[%broadcast_in_dim3A_8, %get3A_66] : memref<2x10240xf32, #tpu.memory_space<vmem>>[vector<16xi32>, vector<16xi32>], vector<16xf32>,
        %mul3A_75 = arith.mulf %gather3A_74, %gather3A_73 : vector<16xf32>
        tpu.vector_store_idx %arg8[%broadcast_in_dim3A_8, %get3A_72], %mul3A_75 {add = true} : memref<2x10240xf32, #tpu.memory_space<vmem>>[vector<16xi32>, vector<16xi32>], vector<16xf32>,
        %gather3A_76 = tpu.vector_load_idx %arg7[%broadcast_in_dim3A_10, %get3A_66] : memref<2x10240xf32, #tpu.memory_space<vmem>>[vector<16xi32>, vector<16xi32>], vector<16xf32>,
        %mul3A_77 = arith.mulf %gather3A_76, %gather3A_73 : vector<16xf32>
        tpu.vector_store_idx %arg8[%broadcast_in_dim3A_10, %get3A_72], %mul3A_77 {add = true} : memref<2x10240xf32, #tpu.memory_space<vmem>>[vector<16xi32>, vector<16xi32>], vector<16xf32>,
        %mul3A_78 = arith.constant 128 : i32
        %mul3A_79 = arith.muli %scan3A_28, %mul3A_78 : i32
        %add3A_80 = arith.constant 48 : i32
        %add3A_81 = arith.addi %mul3A_79, %add3A_80 : i32
        %get3A_82 = arith.index_cast %add3A_81 : i32 to index
        %get3A_83 = tpu.vector_load %arg10[%get3A_82] {strides = array<i32>} : memref<12800xi32, #tpu.memory_space<vmem>>, vector<16xi32>,
        %mul3A_84 = arith.constant 128 : i32
        %mul3A_85 = arith.muli %scan3A_28, %mul3A_84 : i32
        %add3A_86 = arith.constant 48 : i32
        %add3A_87 = arith.addi %mul3A_85, %add3A_86 : i32
        %get3A_88 = arith.index_cast %add3A_87 : i32 to index
        %get3A_89 = tpu.vector_load %arg11[%get3A_88] {strides = array<i32>} : memref<12800xi32, #tpu.memory_space<vmem>>, vector<16xi32>,
        %gather3A_90 = tpu.vector_load_idx %arg9[%get3A_83] : memref<10240xf32, #tpu.memory_space<vmem>>[vector<16xi32>], vector<16xf32>,
        %gather3A_91 = tpu.vector_load_idx %arg7[%broadcast_in_dim3A_8, %get3A_83] : memref<2x10240xf32, #tpu.memory_space<vmem>>[vector<16xi32>, vector<16xi32>], vector<16xf32>,
        %mul3A_92 = arith.mulf %gather3A_91, %gather3A_90 : vector<16xf32>
        tpu.vector_store_idx %arg8[%broadcast_in_dim3A_8, %get3A_89], %mul3A_92 {add = true} : memref<2x10240xf32, #tpu.memory_space<vmem>>[vector<16xi32>, vector<16xi32>], vector<16xf32>,
        %gather3A_93 = tpu.vector_load_idx %arg7[%broadcast_in_dim3A_10, %get3A_83] : memref<2x10240xf32, #tpu.memory_space<vmem>>[vector<16xi32>, vector<16xi32>], vector<16xf32>,
        %mul3A_94 = arith.mulf %gather3A_93, %gather3A_90 : vector<16xf32>
        tpu.vector_store_idx %arg8[%broadcast_in_dim3A_10, %get3A_89], %mul3A_94 {add = true} : memref<2x10240xf32, #tpu.memory_space<vmem>>[vector<16xi32>, vector<16xi32>], vector<16xf32>,
        %mul3A_95 = arith.constant 128 : i32
        %mul3A_96 = arith.muli %scan3A_28, %mul3A_95 : i32
        %add3A_97 = arith.constant 64 : i32
        %add3A_98 = arith.addi %mul3A_96, %add3A_97 : i32
        %get3A_99 = arith.index_cast %add3A_98 : i32 to index
        %get3A_100 = tpu.vector_load %arg10[%get3A_99] {strides = array<i32>} : memref<12800xi32, #tpu.memory_space<vmem>>, vector<16xi32>,
        %mul3A_101 = arith.constant 128 : i32
        %mul3A_102 = arith.muli %scan3A_28, %mul3A_101 : i32
        %add3A_103 = arith.constant 64 : i32
        %add3A_104 = arith.addi %mul3A_102, %add3A_103 : i32
        %get3A_105 = arith.index_cast %add3A_104 : i32 to index
        %get3A_106 = tpu.vector_load %arg11[%get3A_105] {strides = array<i32>} : memref<12800xi32, #tpu.memory_space<vmem>>, vector<16xi32>,
        %gather3A_107 = tpu.vector_load_idx %arg9[%get3A_100] : memref<10240xf32, #tpu.memory_space<vmem>>[vector<16xi32>], vector<16xf32>,
        %gather3A_108 = tpu.vector_load_idx %arg7[%broadcast_in_dim3A_8, %get3A_100] : memref<2x10240xf32, #tpu.memory_space<vmem>>[vector<16xi32>, vector<16xi32>], vector<16xf32>,
        %mul3A_109 = arith.mulf %gather3A_108, %gather3A_107 : vector<16xf32>
        tpu.vector_store_idx %arg8[%broadcast_in_dim3A_8, %get3A_106], %mul3A_109 {add = true} : memref<2x10240xf32, #tpu.memory_space<vmem>>[vector<16xi32>, vector<16xi32>], vector<16xf32>,
        %gather3A_110 = tpu.vector_load_idx %arg7[%broadcast_in_dim3A_10, %get3A_100] : memref<2x10240xf32, #tpu.memory_space<vmem>>[vector<16xi32>, vector<16xi32>], vector<16xf32>,
        %mul3A_111 = arith.mulf %gather3A_110, %gather3A_107 : vector<16xf32>
        tpu.vector_store_idx %arg8[%broadcast_in_dim3A_10, %get3A_106], %mul3A_111 {add = true} : memref<2x10240xf32, #tpu.memory_space<vmem>>[vector<16xi32>, vector<16xi32>], vector<16xf32>,
        %mul3A_112 = arith.constant 128 : i32
        %mul3A_113 = arith.muli %scan3A_28, %mul3A_112 : i32
        %add3A_114 = arith.constant 80 : i32
        %add3A_115 = arith.addi %mul3A_113, %add3A_114 : i32
        %get3A_116 = arith.index_cast %add3A_115 : i32 to index
        %get3A_117 = tpu.vector_load %arg10[%get3A_116] {strides = array<i32>} : memref<12800xi32, #tpu.memory_space<vmem>>, vector<16xi32>,
        %mul3A_118 = arith.constant 128 : i32
        %mul3A_119 = arith.muli %scan3A_28, %mul3A_118 : i32
        %add3A_120 = arith.constant 80 : i32
        %add3A_121 = arith.addi %mul3A_119, %add3A_120 : i32
        %get3A_122 = arith.index_cast %add3A_121 : i32 to index
        %get3A_123 = tpu.vector_load %arg11[%get3A_122] {strides = array<i32>} : memref<12800xi32, #tpu.memory_space<vmem>>, vector<16xi32>,
        %gather3A_124 = tpu.vector_load_idx %arg9[%get3A_117] : memref<10240xf32, #tpu.memory_space<vmem>>[vector<16xi32>], vector<16xf32>,
        %gather3A_125 = tpu.vector_load_idx %arg7[%broadcast_in_dim3A_8, %get3A_117] : memref<2x10240xf32, #tpu.memory_space<vmem>>[vector<16xi32>, vector<16xi32>], vector<16xf32>,
        %mul3A_126 = arith.mulf %gather3A_125, %gather3A_124 : vector<16xf32>
        tpu.vector_store_idx %arg8[%broadcast_in_dim3A_8, %get3A_123], %mul3A_126 {add = true} : memref<2x10240xf32, #tpu.memory_space<vmem>>[vector<16xi32>, vector<16xi32>], vector<16xf32>,
        %gather3A_127 = tpu.vector_load_idx %arg7[%broadcast_in_dim3A_10, %get3A_117] : memref<2x10240xf32, #tpu.memory_space<vmem>>[vector<16xi32>, vector<16xi32>], vector<16xf32>,
        %mul3A_128 = arith.mulf %gather3A_127, %gather3A_124 : vector<16xf32>
        tpu.vector_store_idx %arg8[%broadcast_in_dim3A_10, %get3A_123], %mul3A_128 {add = true} : memref<2x10240xf32, #tpu.memory_space<vmem>>[vector<16xi32>, vector<16xi32>], vector<16xf32>,
        %mul3A_129 = arith.constant 128 : i32
        %mul3A_130 = arith.muli %scan3A_28, %mul3A_129 : i32
        %add3A_131 = arith.constant 96 : i32
        %add3A_132 = arith.addi %mul3A_130, %add3A_131 : i32
        %get3A_133 = arith.index_cast %add3A_132 : i32 to index
        %get3A_134 = tpu.vector_load %arg10[%get3A_133] {strides = array<i32>} : memref<12800xi32, #tpu.memory_space<vmem>>, vector<16xi32>,
        %mul3A_135 = arith.constant 128 : i32
        %mul3A_136 = arith.muli %scan3A_28, %mul3A_135 : i32
        %add3A_137 = arith.constant 96 : i32
        %add3A_138 = arith.addi %mul3A_136, %add3A_137 : i32
        %get3A_139 = arith.index_cast %add3A_138 : i32 to index
        %get3A_140 = tpu.vector_load %arg11[%get3A_139] {strides = array<i32>} : memref<12800xi32, #tpu.memory_space<vmem>>, vector<16xi32>,
        %gather3A_141 = tpu.vector_load_idx %arg9[%get3A_134] : memref<10240xf32, #tpu.memory_space<vmem>>[vector<16xi32>], vector<16xf32>,
        %gather3A_142 = tpu.vector_load_idx %arg7[%broadcast_in_dim3A_8, %get3A_134] : memref<2x10240xf32, #tpu.memory_space<vmem>>[vector<16xi32>, vector<16xi32>], vector<16xf32>,
        %mul3A_143 = arith.mulf %gather3A_142, %gather3A_141 : vector<16xf32>
        tpu.vector_store_idx %arg8[%broadcast_in_dim3A_8, %get3A_140], %mul3A_143 {add = true} : memref<2x10240xf32, #tpu.memory_space<vmem>>[vector<16xi32>, vector<16xi32>], vector<16xf32>,
        %gather3A_144 = tpu.vector_load_idx %arg7[%broadcast_in_dim3A_10, %get3A_134] : memref<2x10240xf32, #tpu.memory_space<vmem>>[vector<16xi32>, vector<16xi32>], vector<16xf32>,
        %mul3A_145 = arith.mulf %gather3A_144, %gather3A_141 : vector<16xf32>
        tpu.vector_store_idx %arg8[%broadcast_in_dim3A_10, %get3A_140], %mul3A_145 {add = true} : memref<2x10240xf32, #tpu.memory_space<vmem>>[vector<16xi32>, vector<16xi32>], vector<16xf32>,
        %mul3A_146 = arith.constant 128 : i32
        %mul3A_147 = arith.muli %scan3A_28, %mul3A_146 : i32
        %add3A_148 = arith.constant 112 : i32
        %add3A_149 = arith.addi %mul3A_147, %add3A_148 : i32
        %get3A_150 = arith.index_cast %add3A_149 : i32 to index
        %get3A_151 = tpu.vector_load %arg10[%get3A_150] {strides = array<i32>} : memref<12800xi32, #tpu.memory_space<vmem>>, vector<16xi32>,
        %mul3A_152 = arith.constant 128 : i32
        %mul3A_153 = arith.muli %scan3A_28, %mul3A_152 : i32
        %add3A_154 = arith.constant 112 : i32
        %add3A_155 = arith.addi %mul3A_153, %add3A_154 : i32
        %get3A_156 = arith.index_cast %add3A_155 : i32 to index
        %get3A_157 = tpu.vector_load %arg11[%get3A_156] {strides = array<i32>} : memref<12800xi32, #tpu.memory_space<vmem>>, vector<16xi32>,
        %gather3A_158 = tpu.vector_load_idx %arg9[%get3A_151] : memref<10240xf32, #tpu.memory_space<vmem>>[vector<16xi32>], vector<16xf32>,
        %gather3A_159 = tpu.vector_load_idx %arg7[%broadcast_in_dim3A_8, %get3A_151] : memref<2x10240xf32, #tpu.memory_space<vmem>>[vector<16xi32>, vector<16xi32>], vector<16xf32>,
        %mul3A_160 = arith.mulf %gather3A_159, %gather3A_158 : vector<16xf32>
        tpu.vector_store_idx %arg8[%broadcast_in_dim3A_8, %get3A_157], %mul3A_160 {add = true} : memref<2x10240xf32, #tpu.memory_space<vmem>>[vector<16xi32>, vector<16xi32>], vector<16xf32>,
        %gather3A_161 = tpu.vector_load_idx %arg7[%broadcast_in_dim3A_10, %get3A_151] : memref<2x10240xf32, #tpu.memory_space<vmem>>[vector<16xi32>, vector<16xi32>], vector<16xf32>,
        %mul3A_162 = arith.mulf %gather3A_161, %gather3A_158 : vector<16xf32>
        tpu.vector_store_idx %arg8[%broadcast_in_dim3A_10, %get3A_157], %mul3A_162 {add = true} : memref<2x10240xf32, #tpu.memory_space<vmem>>[vector<16xi32>, vector<16xi32>], vector<16xf32>,
      }
      %scan3A_27 = arith.constant 100 : i32
    }
    %scan3A_16 = arith.constant 25 : i32
    "tpu.region"() ({
      %run_scoped3A = tpu.sem_alloc : memref<!tpu.dma_semaphore, #tpu.memory_space<semaphore_mem>>
      %dma_start3A = arith.constant 0 : i32
      %dma_start3A_17 = tpu.memref_slice %arg6[%mul3A_2, %dma_start3A] : memref<64x10240xf32, #tpu.memory_space<hbm>> -> memref<2x10240xf32, #tpu.memory_space<hbm>>
      %dma_start3A_18 = arith.constant 0 : i32
      %dma_start3A_19 = tpu.memref_slice %arg6[%mul3A_2, %dma_start3A_18] : memref<64x10240xf32, #tpu.memory_space<hbm>> -> memref<2x10240xf32, #tpu.memory_space<hbm>>
      tpu.enqueue_dma source(%arg8 : memref<2x10240xf32, #tpu.memory_space<vmem>>) target(%dma_start3A_19 : memref<2x10240xf32, #tpu.memory_space<hbm>>) target_semaphore(%run_scoped3A : memref<!tpu.dma_semaphore, #tpu.memory_space<semaphore_mem>>)
      %dma_wait3A = arith.constant 0 : i32
      %dma_wait3A_20 = tpu.memref_slice %arg6[%mul3A_2, %dma_wait3A] : memref<64x10240xf32, #tpu.memory_space<hbm>> -> memref<2x10240xf32, #tpu.memory_space<hbm>>
      %dma_wait3A_21 = arith.constant 0 : i32
      %dma_wait3A_22 = tpu.memref_slice %arg6[%mul3A_2, %dma_wait3A_21] : memref<64x10240xf32, #tpu.memory_space<hbm>> -> memref<2x10240xf32, #tpu.memory_space<hbm>>
      tpu.wait_dma2 semaphore(%run_scoped3A : memref<!tpu.dma_semaphore, #tpu.memory_space<semaphore_mem>>) src(%arg8 : memref<2x10240xf32, #tpu.memory_space<vmem>>) dst(%dma_wait3A_22 : memref<2x10240xf32, #tpu.memory_space<hbm>>)
      tpu.yield
    }) : () -> ()
    return
  }
}

#map = affine_map<(d0, d1) -> (0, 0)>
#map1 = affine_map<(d0, d1) -> (0)>
module attributes {stable_mosaic.version = 14 : i64} {
  func.func @_hop1(%arg0: i32, %arg1: i32, %arg2: memref<64x10240xf32, #tpu.memory_space<hbm>>, %arg3: memref<320000xi32, #tpu.memory_space<hbm>>, %arg4: memref<320000xi32, #tpu.memory_space<hbm>>, %arg5: memref<64x10240xf32, #tpu.memory_space<hbm>>, %arg6: memref<2x10240xf32, #tpu.memory_space<vmem>>, %arg7: memref<2x10240xf32, #tpu.memory_space<vmem>>, %arg8: memref<12800xi32, #tpu.memory_space<vmem>>, %arg9: memref<12800xi32, #tpu.memory_space<vmem>>) attributes {dimension_semantics = [#tpu.dimension_semantics<core_parallel>, #tpu.dimension_semantics<subcore_parallel>], iteration_bounds = array<i64: 2, 16>, scalar_prefetch = 0 : i64, scratch_operands = 4 : i64, tpu.core_type = #tpu.core_type<sc_vector_subcore>, window_params = [{transform_indices = #map}, {transform_indices = #map1}, {transform_indices = #map1}, {transform_indices = #map}]} {
    %mul3A = arith.constant 16 : i32
    %mul3A_0 = arith.muli %arg0, %mul3A : i32
    %add3A = arith.addi %mul3A_0, %arg1 : i32
    %mul3A_1 = arith.constant 2 : i32
    %mul3A_2 = arith.muli %add3A, %mul3A_1 : i32
    "tpu.region"() ({
      %run_scoped3A = tpu.sem_alloc : memref<!tpu.dma_semaphore, #tpu.memory_space<semaphore_mem>>
      %dma_start3A = arith.constant 0 : i32
      %dma_start3A_11 = tpu.memref_slice %arg2[%mul3A_2, %dma_start3A] : memref<64x10240xf32, #tpu.memory_space<hbm>> -> memref<2x10240xf32, #tpu.memory_space<hbm>>
      %dma_start3A_12 = arith.constant 0 : i32
      %dma_start3A_13 = tpu.memref_slice %arg2[%mul3A_2, %dma_start3A_12] : memref<64x10240xf32, #tpu.memory_space<hbm>> -> memref<2x10240xf32, #tpu.memory_space<hbm>>
      tpu.enqueue_dma source(%dma_start3A_13 : memref<2x10240xf32, #tpu.memory_space<hbm>>) target(%arg6 : memref<2x10240xf32, #tpu.memory_space<vmem>>) target_semaphore(%run_scoped3A : memref<!tpu.dma_semaphore, #tpu.memory_space<semaphore_mem>>)
      %dma_wait3A = arith.constant 0 : i32
      %dma_wait3A_14 = tpu.memref_slice %arg2[%mul3A_2, %dma_wait3A] : memref<64x10240xf32, #tpu.memory_space<hbm>> -> memref<2x10240xf32, #tpu.memory_space<hbm>>
      %dma_wait3A_15 = arith.constant 0 : i32
      %dma_wait3A_16 = tpu.memref_slice %arg2[%mul3A_2, %dma_wait3A_15] : memref<64x10240xf32, #tpu.memory_space<hbm>> -> memref<2x10240xf32, #tpu.memory_space<hbm>>
      tpu.wait_dma2 semaphore(%run_scoped3A : memref<!tpu.dma_semaphore, #tpu.memory_space<semaphore_mem>>) src(%dma_wait3A_16 : memref<2x10240xf32, #tpu.memory_space<hbm>>) dst(%arg6 : memref<2x10240xf32, #tpu.memory_space<vmem>>)
      tpu.yield
    }) : () -> ()
    "tpu.region"() ({
      %run_scoped3A = tpu.sem_alloc : memref<!tpu.dma_semaphore, #tpu.memory_space<semaphore_mem>>
      %dma_start3A = arith.constant 0 : i32
      %dma_start3A_11 = tpu.memref_slice %arg2[%mul3A_2, %dma_start3A] : memref<64x10240xf32, #tpu.memory_space<hbm>> -> memref<2x10240xf32, #tpu.memory_space<hbm>>
      %dma_start3A_12 = arith.constant 0 : i32
      %dma_start3A_13 = tpu.memref_slice %arg2[%mul3A_2, %dma_start3A_12] : memref<64x10240xf32, #tpu.memory_space<hbm>> -> memref<2x10240xf32, #tpu.memory_space<hbm>>
      tpu.enqueue_dma source(%dma_start3A_13 : memref<2x10240xf32, #tpu.memory_space<hbm>>) target(%arg7 : memref<2x10240xf32, #tpu.memory_space<vmem>>) target_semaphore(%run_scoped3A : memref<!tpu.dma_semaphore, #tpu.memory_space<semaphore_mem>>)
      %dma_wait3A = arith.constant 0 : i32
      %dma_wait3A_14 = tpu.memref_slice %arg2[%mul3A_2, %dma_wait3A] : memref<64x10240xf32, #tpu.memory_space<hbm>> -> memref<2x10240xf32, #tpu.memory_space<hbm>>
      %dma_wait3A_15 = arith.constant 0 : i32
      %dma_wait3A_16 = tpu.memref_slice %arg2[%mul3A_2, %dma_wait3A_15] : memref<64x10240xf32, #tpu.memory_space<hbm>> -> memref<2x10240xf32, #tpu.memory_space<hbm>>
      tpu.wait_dma2 semaphore(%run_scoped3A : memref<!tpu.dma_semaphore, #tpu.memory_space<semaphore_mem>>) src(%dma_wait3A_16 : memref<2x10240xf32, #tpu.memory_space<hbm>>) dst(%arg7 : memref<2x10240xf32, #tpu.memory_space<vmem>>)
      tpu.yield
    }) : () -> ()
    %broadcast_in_dim3A = arith.constant 0 : i32
    %broadcast_in_dim3A_3 = vector.broadcast %broadcast_in_dim3A : i32 to vector<16xi32>
    %broadcast_in_dim3A_4 = arith.constant 1 : i32
    %broadcast_in_dim3A_5 = vector.broadcast %broadcast_in_dim3A_4 : i32 to vector<16xi32>
    %scan3A = arith.constant 0 : i32
    %scan3A_6 = arith.constant 0 : i32
    %scan3A_7 = arith.constant 25 : i32
    %scan3A_8 = arith.addi %scan3A_6, %scan3A_7 : i32
    %scan3A_9 = arith.constant 1 : i32
    scf.for %scan3A_11 = %scan3A_6 to %scan3A_8 step %scan3A_9  : i32 {
      %mul3A_12 = arith.constant 12800 : i32
      %mul3A_13 = arith.muli %scan3A_11, %mul3A_12 : i32
      "tpu.region"() ({
        %run_scoped3A = tpu.sem_alloc : memref<!tpu.dma_semaphore, #tpu.memory_space<semaphore_mem>>
        %dma_start3A = tpu.memref_slice %arg3[%mul3A_13] : memref<320000xi32, #tpu.memory_space<hbm>> -> memref<12800xi32, #tpu.memory_space<hbm>>
        %dma_start3A_22 = tpu.memref_slice %arg3[%mul3A_13] : memref<320000xi32, #tpu.memory_space<hbm>> -> memref<12800xi32, #tpu.memory_space<hbm>>
        tpu.enqueue_dma source(%dma_start3A_22 : memref<12800xi32, #tpu.memory_space<hbm>>) target(%arg8 : memref<12800xi32, #tpu.memory_space<vmem>>) target_semaphore(%run_scoped3A : memref<!tpu.dma_semaphore, #tpu.memory_space<semaphore_mem>>)
        %dma_wait3A = tpu.memref_slice %arg3[%mul3A_13] : memref<320000xi32, #tpu.memory_space<hbm>> -> memref<12800xi32, #tpu.memory_space<hbm>>
        %dma_wait3A_23 = tpu.memref_slice %arg3[%mul3A_13] : memref<320000xi32, #tpu.memory_space<hbm>> -> memref<12800xi32, #tpu.memory_space<hbm>>
        tpu.wait_dma2 semaphore(%run_scoped3A : memref<!tpu.dma_semaphore, #tpu.memory_space<semaphore_mem>>) src(%dma_wait3A_23 : memref<12800xi32, #tpu.memory_space<hbm>>) dst(%arg8 : memref<12800xi32, #tpu.memory_space<vmem>>)
        tpu.yield
      }) : () -> ()
      %mul3A_14 = arith.constant 12800 : i32
      %mul3A_15 = arith.muli %scan3A_11, %mul3A_14 : i32
      "tpu.region"() ({
        %run_scoped3A = tpu.sem_alloc : memref<!tpu.dma_semaphore, #tpu.memory_space<semaphore_mem>>
        %dma_start3A = tpu.memref_slice %arg4[%mul3A_15] : memref<320000xi32, #tpu.memory_space<hbm>> -> memref<12800xi32, #tpu.memory_space<hbm>>
        %dma_start3A_22 = tpu.memref_slice %arg4[%mul3A_15] : memref<320000xi32, #tpu.memory_space<hbm>> -> memref<12800xi32, #tpu.memory_space<hbm>>
        tpu.enqueue_dma source(%dma_start3A_22 : memref<12800xi32, #tpu.memory_space<hbm>>) target(%arg9 : memref<12800xi32, #tpu.memory_space<vmem>>) target_semaphore(%run_scoped3A : memref<!tpu.dma_semaphore, #tpu.memory_space<semaphore_mem>>)
        %dma_wait3A = tpu.memref_slice %arg4[%mul3A_15] : memref<320000xi32, #tpu.memory_space<hbm>> -> memref<12800xi32, #tpu.memory_space<hbm>>
        %dma_wait3A_23 = tpu.memref_slice %arg4[%mul3A_15] : memref<320000xi32, #tpu.memory_space<hbm>> -> memref<12800xi32, #tpu.memory_space<hbm>>
        tpu.wait_dma2 semaphore(%run_scoped3A : memref<!tpu.dma_semaphore, #tpu.memory_space<semaphore_mem>>) src(%dma_wait3A_23 : memref<12800xi32, #tpu.memory_space<hbm>>) dst(%arg9 : memref<12800xi32, #tpu.memory_space<vmem>>)
        tpu.yield
      }) : () -> ()
      %scan3A_16 = arith.constant 0 : i32
      %scan3A_17 = arith.constant 0 : i32
      %scan3A_18 = arith.constant 100 : i32
      %scan3A_19 = arith.addi %scan3A_17, %scan3A_18 : i32
      %scan3A_20 = arith.constant 1 : i32
      scf.for %scan3A_22 = %scan3A_17 to %scan3A_19 step %scan3A_20  : i32 {
        %mul3A_23 = arith.constant 128 : i32
        %mul3A_24 = arith.muli %scan3A_22, %mul3A_23 : i32
        %add3A_25 = arith.constant 0 : i32
        %add3A_26 = arith.addi %mul3A_24, %add3A_25 : i32
        %get3A = arith.index_cast %add3A_26 : i32 to index
        %get3A_27 = tpu.vector_load %arg8[%get3A] {strides = array<i32>} : memref<12800xi32, #tpu.memory_space<vmem>>, vector<16xi32>,
        %mul3A_28 = arith.constant 128 : i32
        %mul3A_29 = arith.muli %scan3A_22, %mul3A_28 : i32
        %add3A_30 = arith.constant 0 : i32
        %add3A_31 = arith.addi %mul3A_29, %add3A_30 : i32
        %get3A_32 = arith.index_cast %add3A_31 : i32 to index
        %get3A_33 = tpu.vector_load %arg9[%get3A_32] {strides = array<i32>} : memref<12800xi32, #tpu.memory_space<vmem>>, vector<16xi32>,
        %gather3A = tpu.vector_load_idx %arg6[%broadcast_in_dim3A_3, %get3A_27] : memref<2x10240xf32, #tpu.memory_space<vmem>>[vector<16xi32>, vector<16xi32>], vector<16xf32>,
        tpu.vector_store_idx %arg7[%broadcast_in_dim3A_3, %get3A_33], %gather3A {add = true} : memref<2x10240xf32, #tpu.memory_space<vmem>>[vector<16xi32>, vector<16xi32>], vector<16xf32>,
        %gather3A_34 = tpu.vector_load_idx %arg6[%broadcast_in_dim3A_5, %get3A_27] : memref<2x10240xf32, #tpu.memory_space<vmem>>[vector<16xi32>, vector<16xi32>], vector<16xf32>,
        tpu.vector_store_idx %arg7[%broadcast_in_dim3A_5, %get3A_33], %gather3A_34 {add = true} : memref<2x10240xf32, #tpu.memory_space<vmem>>[vector<16xi32>, vector<16xi32>], vector<16xf32>,
        %mul3A_35 = arith.constant 128 : i32
        %mul3A_36 = arith.muli %scan3A_22, %mul3A_35 : i32
        %add3A_37 = arith.constant 16 : i32
        %add3A_38 = arith.addi %mul3A_36, %add3A_37 : i32
        %get3A_39 = arith.index_cast %add3A_38 : i32 to index
        %get3A_40 = tpu.vector_load %arg8[%get3A_39] {strides = array<i32>} : memref<12800xi32, #tpu.memory_space<vmem>>, vector<16xi32>,
        %mul3A_41 = arith.constant 128 : i32
        %mul3A_42 = arith.muli %scan3A_22, %mul3A_41 : i32
        %add3A_43 = arith.constant 16 : i32
        %add3A_44 = arith.addi %mul3A_42, %add3A_43 : i32
        %get3A_45 = arith.index_cast %add3A_44 : i32 to index
        %get3A_46 = tpu.vector_load %arg9[%get3A_45] {strides = array<i32>} : memref<12800xi32, #tpu.memory_space<vmem>>, vector<16xi32>,
        %gather3A_47 = tpu.vector_load_idx %arg6[%broadcast_in_dim3A_3, %get3A_40] : memref<2x10240xf32, #tpu.memory_space<vmem>>[vector<16xi32>, vector<16xi32>], vector<16xf32>,
        tpu.vector_store_idx %arg7[%broadcast_in_dim3A_3, %get3A_46], %gather3A_47 {add = true} : memref<2x10240xf32, #tpu.memory_space<vmem>>[vector<16xi32>, vector<16xi32>], vector<16xf32>,
        %gather3A_48 = tpu.vector_load_idx %arg6[%broadcast_in_dim3A_5, %get3A_40] : memref<2x10240xf32, #tpu.memory_space<vmem>>[vector<16xi32>, vector<16xi32>], vector<16xf32>,
        tpu.vector_store_idx %arg7[%broadcast_in_dim3A_5, %get3A_46], %gather3A_48 {add = true} : memref<2x10240xf32, #tpu.memory_space<vmem>>[vector<16xi32>, vector<16xi32>], vector<16xf32>,
        %mul3A_49 = arith.constant 128 : i32
        %mul3A_50 = arith.muli %scan3A_22, %mul3A_49 : i32
        %add3A_51 = arith.constant 32 : i32
        %add3A_52 = arith.addi %mul3A_50, %add3A_51 : i32
        %get3A_53 = arith.index_cast %add3A_52 : i32 to index
        %get3A_54 = tpu.vector_load %arg8[%get3A_53] {strides = array<i32>} : memref<12800xi32, #tpu.memory_space<vmem>>, vector<16xi32>,
        %mul3A_55 = arith.constant 128 : i32
        %mul3A_56 = arith.muli %scan3A_22, %mul3A_55 : i32
        %add3A_57 = arith.constant 32 : i32
        %add3A_58 = arith.addi %mul3A_56, %add3A_57 : i32
        %get3A_59 = arith.index_cast %add3A_58 : i32 to index
        %get3A_60 = tpu.vector_load %arg9[%get3A_59] {strides = array<i32>} : memref<12800xi32, #tpu.memory_space<vmem>>, vector<16xi32>,
        %gather3A_61 = tpu.vector_load_idx %arg6[%broadcast_in_dim3A_3, %get3A_54] : memref<2x10240xf32, #tpu.memory_space<vmem>>[vector<16xi32>, vector<16xi32>], vector<16xf32>,
        tpu.vector_store_idx %arg7[%broadcast_in_dim3A_3, %get3A_60], %gather3A_61 {add = true} : memref<2x10240xf32, #tpu.memory_space<vmem>>[vector<16xi32>, vector<16xi32>], vector<16xf32>,
        %gather3A_62 = tpu.vector_load_idx %arg6[%broadcast_in_dim3A_5, %get3A_54] : memref<2x10240xf32, #tpu.memory_space<vmem>>[vector<16xi32>, vector<16xi32>], vector<16xf32>,
        tpu.vector_store_idx %arg7[%broadcast_in_dim3A_5, %get3A_60], %gather3A_62 {add = true} : memref<2x10240xf32, #tpu.memory_space<vmem>>[vector<16xi32>, vector<16xi32>], vector<16xf32>,
        %mul3A_63 = arith.constant 128 : i32
        %mul3A_64 = arith.muli %scan3A_22, %mul3A_63 : i32
        %add3A_65 = arith.constant 48 : i32
        %add3A_66 = arith.addi %mul3A_64, %add3A_65 : i32
        %get3A_67 = arith.index_cast %add3A_66 : i32 to index
        %get3A_68 = tpu.vector_load %arg8[%get3A_67] {strides = array<i32>} : memref<12800xi32, #tpu.memory_space<vmem>>, vector<16xi32>,
        %mul3A_69 = arith.constant 128 : i32
        %mul3A_70 = arith.muli %scan3A_22, %mul3A_69 : i32
        %add3A_71 = arith.constant 48 : i32
        %add3A_72 = arith.addi %mul3A_70, %add3A_71 : i32
        %get3A_73 = arith.index_cast %add3A_72 : i32 to index
        %get3A_74 = tpu.vector_load %arg9[%get3A_73] {strides = array<i32>} : memref<12800xi32, #tpu.memory_space<vmem>>, vector<16xi32>,
        %gather3A_75 = tpu.vector_load_idx %arg6[%broadcast_in_dim3A_3, %get3A_68] : memref<2x10240xf32, #tpu.memory_space<vmem>>[vector<16xi32>, vector<16xi32>], vector<16xf32>,
        tpu.vector_store_idx %arg7[%broadcast_in_dim3A_3, %get3A_74], %gather3A_75 {add = true} : memref<2x10240xf32, #tpu.memory_space<vmem>>[vector<16xi32>, vector<16xi32>], vector<16xf32>,
        %gather3A_76 = tpu.vector_load_idx %arg6[%broadcast_in_dim3A_5, %get3A_68] : memref<2x10240xf32, #tpu.memory_space<vmem>>[vector<16xi32>, vector<16xi32>], vector<16xf32>,
        tpu.vector_store_idx %arg7[%broadcast_in_dim3A_5, %get3A_74], %gather3A_76 {add = true} : memref<2x10240xf32, #tpu.memory_space<vmem>>[vector<16xi32>, vector<16xi32>], vector<16xf32>,
        %mul3A_77 = arith.constant 128 : i32
        %mul3A_78 = arith.muli %scan3A_22, %mul3A_77 : i32
        %add3A_79 = arith.constant 64 : i32
        %add3A_80 = arith.addi %mul3A_78, %add3A_79 : i32
        %get3A_81 = arith.index_cast %add3A_80 : i32 to index
        %get3A_82 = tpu.vector_load %arg8[%get3A_81] {strides = array<i32>} : memref<12800xi32, #tpu.memory_space<vmem>>, vector<16xi32>,
        %mul3A_83 = arith.constant 128 : i32
        %mul3A_84 = arith.muli %scan3A_22, %mul3A_83 : i32
        %add3A_85 = arith.constant 64 : i32
        %add3A_86 = arith.addi %mul3A_84, %add3A_85 : i32
        %get3A_87 = arith.index_cast %add3A_86 : i32 to index
        %get3A_88 = tpu.vector_load %arg9[%get3A_87] {strides = array<i32>} : memref<12800xi32, #tpu.memory_space<vmem>>, vector<16xi32>,
        %gather3A_89 = tpu.vector_load_idx %arg6[%broadcast_in_dim3A_3, %get3A_82] : memref<2x10240xf32, #tpu.memory_space<vmem>>[vector<16xi32>, vector<16xi32>], vector<16xf32>,
        tpu.vector_store_idx %arg7[%broadcast_in_dim3A_3, %get3A_88], %gather3A_89 {add = true} : memref<2x10240xf32, #tpu.memory_space<vmem>>[vector<16xi32>, vector<16xi32>], vector<16xf32>,
        %gather3A_90 = tpu.vector_load_idx %arg6[%broadcast_in_dim3A_5, %get3A_82] : memref<2x10240xf32, #tpu.memory_space<vmem>>[vector<16xi32>, vector<16xi32>], vector<16xf32>,
        tpu.vector_store_idx %arg7[%broadcast_in_dim3A_5, %get3A_88], %gather3A_90 {add = true} : memref<2x10240xf32, #tpu.memory_space<vmem>>[vector<16xi32>, vector<16xi32>], vector<16xf32>,
        %mul3A_91 = arith.constant 128 : i32
        %mul3A_92 = arith.muli %scan3A_22, %mul3A_91 : i32
        %add3A_93 = arith.constant 80 : i32
        %add3A_94 = arith.addi %mul3A_92, %add3A_93 : i32
        %get3A_95 = arith.index_cast %add3A_94 : i32 to index
        %get3A_96 = tpu.vector_load %arg8[%get3A_95] {strides = array<i32>} : memref<12800xi32, #tpu.memory_space<vmem>>, vector<16xi32>,
        %mul3A_97 = arith.constant 128 : i32
        %mul3A_98 = arith.muli %scan3A_22, %mul3A_97 : i32
        %add3A_99 = arith.constant 80 : i32
        %add3A_100 = arith.addi %mul3A_98, %add3A_99 : i32
        %get3A_101 = arith.index_cast %add3A_100 : i32 to index
        %get3A_102 = tpu.vector_load %arg9[%get3A_101] {strides = array<i32>} : memref<12800xi32, #tpu.memory_space<vmem>>, vector<16xi32>,
        %gather3A_103 = tpu.vector_load_idx %arg6[%broadcast_in_dim3A_3, %get3A_96] : memref<2x10240xf32, #tpu.memory_space<vmem>>[vector<16xi32>, vector<16xi32>], vector<16xf32>,
        tpu.vector_store_idx %arg7[%broadcast_in_dim3A_3, %get3A_102], %gather3A_103 {add = true} : memref<2x10240xf32, #tpu.memory_space<vmem>>[vector<16xi32>, vector<16xi32>], vector<16xf32>,
        %gather3A_104 = tpu.vector_load_idx %arg6[%broadcast_in_dim3A_5, %get3A_96] : memref<2x10240xf32, #tpu.memory_space<vmem>>[vector<16xi32>, vector<16xi32>], vector<16xf32>,
        tpu.vector_store_idx %arg7[%broadcast_in_dim3A_5, %get3A_102], %gather3A_104 {add = true} : memref<2x10240xf32, #tpu.memory_space<vmem>>[vector<16xi32>, vector<16xi32>], vector<16xf32>,
        %mul3A_105 = arith.constant 128 : i32
        %mul3A_106 = arith.muli %scan3A_22, %mul3A_105 : i32
        %add3A_107 = arith.constant 96 : i32
        %add3A_108 = arith.addi %mul3A_106, %add3A_107 : i32
        %get3A_109 = arith.index_cast %add3A_108 : i32 to index
        %get3A_110 = tpu.vector_load %arg8[%get3A_109] {strides = array<i32>} : memref<12800xi32, #tpu.memory_space<vmem>>, vector<16xi32>,
        %mul3A_111 = arith.constant 128 : i32
        %mul3A_112 = arith.muli %scan3A_22, %mul3A_111 : i32
        %add3A_113 = arith.constant 96 : i32
        %add3A_114 = arith.addi %mul3A_112, %add3A_113 : i32
        %get3A_115 = arith.index_cast %add3A_114 : i32 to index
        %get3A_116 = tpu.vector_load %arg9[%get3A_115] {strides = array<i32>} : memref<12800xi32, #tpu.memory_space<vmem>>, vector<16xi32>,
        %gather3A_117 = tpu.vector_load_idx %arg6[%broadcast_in_dim3A_3, %get3A_110] : memref<2x10240xf32, #tpu.memory_space<vmem>>[vector<16xi32>, vector<16xi32>], vector<16xf32>,
        tpu.vector_store_idx %arg7[%broadcast_in_dim3A_3, %get3A_116], %gather3A_117 {add = true} : memref<2x10240xf32, #tpu.memory_space<vmem>>[vector<16xi32>, vector<16xi32>], vector<16xf32>,
        %gather3A_118 = tpu.vector_load_idx %arg6[%broadcast_in_dim3A_5, %get3A_110] : memref<2x10240xf32, #tpu.memory_space<vmem>>[vector<16xi32>, vector<16xi32>], vector<16xf32>,
        tpu.vector_store_idx %arg7[%broadcast_in_dim3A_5, %get3A_116], %gather3A_118 {add = true} : memref<2x10240xf32, #tpu.memory_space<vmem>>[vector<16xi32>, vector<16xi32>], vector<16xf32>,
        %mul3A_119 = arith.constant 128 : i32
        %mul3A_120 = arith.muli %scan3A_22, %mul3A_119 : i32
        %add3A_121 = arith.constant 112 : i32
        %add3A_122 = arith.addi %mul3A_120, %add3A_121 : i32
        %get3A_123 = arith.index_cast %add3A_122 : i32 to index
        %get3A_124 = tpu.vector_load %arg8[%get3A_123] {strides = array<i32>} : memref<12800xi32, #tpu.memory_space<vmem>>, vector<16xi32>,
        %mul3A_125 = arith.constant 128 : i32
        %mul3A_126 = arith.muli %scan3A_22, %mul3A_125 : i32
        %add3A_127 = arith.constant 112 : i32
        %add3A_128 = arith.addi %mul3A_126, %add3A_127 : i32
        %get3A_129 = arith.index_cast %add3A_128 : i32 to index
        %get3A_130 = tpu.vector_load %arg9[%get3A_129] {strides = array<i32>} : memref<12800xi32, #tpu.memory_space<vmem>>, vector<16xi32>,
        %gather3A_131 = tpu.vector_load_idx %arg6[%broadcast_in_dim3A_3, %get3A_124] : memref<2x10240xf32, #tpu.memory_space<vmem>>[vector<16xi32>, vector<16xi32>], vector<16xf32>,
        tpu.vector_store_idx %arg7[%broadcast_in_dim3A_3, %get3A_130], %gather3A_131 {add = true} : memref<2x10240xf32, #tpu.memory_space<vmem>>[vector<16xi32>, vector<16xi32>], vector<16xf32>,
        %gather3A_132 = tpu.vector_load_idx %arg6[%broadcast_in_dim3A_5, %get3A_124] : memref<2x10240xf32, #tpu.memory_space<vmem>>[vector<16xi32>, vector<16xi32>], vector<16xf32>,
        tpu.vector_store_idx %arg7[%broadcast_in_dim3A_5, %get3A_130], %gather3A_132 {add = true} : memref<2x10240xf32, #tpu.memory_space<vmem>>[vector<16xi32>, vector<16xi32>], vector<16xf32>,
      }
      %scan3A_21 = arith.constant 100 : i32
    }
    %scan3A_10 = arith.constant 25 : i32
    "tpu.region"() ({
      %run_scoped3A = tpu.sem_alloc : memref<!tpu.dma_semaphore, #tpu.memory_space<semaphore_mem>>
      %dma_start3A = arith.constant 0 : i32
      %dma_start3A_11 = tpu.memref_slice %arg5[%mul3A_2, %dma_start3A] : memref<64x10240xf32, #tpu.memory_space<hbm>> -> memref<2x10240xf32, #tpu.memory_space<hbm>>
      %dma_start3A_12 = arith.constant 0 : i32
      %dma_start3A_13 = tpu.memref_slice %arg5[%mul3A_2, %dma_start3A_12] : memref<64x10240xf32, #tpu.memory_space<hbm>> -> memref<2x10240xf32, #tpu.memory_space<hbm>>
      tpu.enqueue_dma source(%arg7 : memref<2x10240xf32, #tpu.memory_space<vmem>>) target(%dma_start3A_13 : memref<2x10240xf32, #tpu.memory_space<hbm>>) target_semaphore(%run_scoped3A : memref<!tpu.dma_semaphore, #tpu.memory_space<semaphore_mem>>)
      %dma_wait3A = arith.constant 0 : i32
      %dma_wait3A_14 = tpu.memref_slice %arg5[%mul3A_2, %dma_wait3A] : memref<64x10240xf32, #tpu.memory_space<hbm>> -> memref<2x10240xf32, #tpu.memory_space<hbm>>
      %dma_wait3A_15 = arith.constant 0 : i32
      %dma_wait3A_16 = tpu.memref_slice %arg5[%mul3A_2, %dma_wait3A_15] : memref<64x10240xf32, #tpu.memory_space<hbm>> -> memref<2x10240xf32, #tpu.memory_space<hbm>>
      tpu.wait_dma2 semaphore(%run_scoped3A : memref<!tpu.dma_semaphore, #tpu.memory_space<semaphore_mem>>) src(%arg7 : memref<2x10240xf32, #tpu.memory_space<vmem>>) dst(%dma_wait3A_16 : memref<2x10240xf32, #tpu.memory_space<hbm>>)
      tpu.yield
    }) : () -> ()
    return
  }
}

module attributes {stable_mosaic.version = 14 : i64} {
  func.func @_tc1_body(%arg0: i32, %arg1: memref<512x128xf32, #tpu.memory_space<vmem>>, %arg2: memref<64x128xf32, #tpu.memory_space<vmem>>, %arg3: memref<32x512xf32, #tpu.memory_space<vmem>>, %arg4: memref<64x512xf32, #tpu.memory_space<vmem>>, %arg5: memref<1x512xf32, #tpu.memory_space<vmem>>, %arg6: memref<1x512xf32, #tpu.memory_space<vmem>>) attributes {dimension_semantics = [#tpu.dimension_semantics<arbitrary>], iteration_bounds = array<i64: 20>, scalar_prefetch = 0 : i64, scratch_operands = 0 : i64, tpu.core_type = #tpu.core_type<tc>, window_params = [{transform_indices = @transform_0, window_bounds = array<i64: 512, 128>}, {pipeline_mode = #tpu.pipeline_mode<synchronous>, transform_indices = @transform_1, window_bounds = array<i64: 64, 128>}, {transform_indices = @transform_2, window_bounds = array<i64: 32, 512>}, {transform_indices = @transform_3, window_bounds = array<i64: 64, 512>}, {transform_indices = @transform_4, window_bounds = array<i64: 1, 512>}, {transform_indices = @transform_5, window_bounds = array<i64: 1, 512>}]} {
    %get3A = arith.constant 0 : index
    %get3A_0 = arith.constant 0 : index
    %get3A_1 = vector.load %arg3[%get3A, %get3A_0] : memref<32x512xf32, #tpu.memory_space<vmem>>, vector<32x512xf32>
    %reduce_sum3A = arith.constant dense<0.000000e+00> : vector<512xf32>
    %reduce_sum3A_2 = vector.multi_reduction <add>, %get3A_1, %reduce_sum3A [0] : vector<32x512xf32> to vector<512xf32>
    %broadcast_in_dim3A = vector.shape_cast %reduce_sum3A_2 : vector<512xf32> to vector<1x512xf32>
    %add3A = arith.constant 1.000000e+00 : f32
    %add3A_3 = vector.broadcast %add3A : f32 to vector<1x512xf32>
    %add3A_4 = arith.addf %add3A_3, %broadcast_in_dim3A : vector<1x512xf32>
    %rsqrt3A = math.rsqrt %add3A_4 : vector<1x512xf32>
    %get3A_5 = arith.constant 0 : index
    %get3A_6 = arith.constant 0 : index
    %get3A_7 = vector.load %arg2[%get3A_5, %get3A_6] : memref<64x128xf32, #tpu.memory_space<vmem>>, vector<64x128xf32>
    %get3A_8 = arith.constant 0 : index
    %get3A_9 = arith.constant 0 : index
    %get3A_10 = vector.load %arg1[%get3A_8, %get3A_9] : memref<512x128xf32, #tpu.memory_space<vmem>>, vector<512x128xf32>
    %dot_general3A = arith.constant dense<0.000000e+00> : vector<64x512xf32>
    %dot_general3A_11 = tpu.matmul %get3A_7, %get3A_10, %dot_general3A {dimension_numbers = #tpu.dot_dimension_numbers<[1], [1], [0], [0], [0, 0, 1, 0], [], []>, transpose_lhs_hint = false} : vector<64x128xf32>, vector<512x128xf32>, vector<64x512xf32> -> vector<64x512xf32>
    %mul3A = vector.broadcast %rsqrt3A : vector<1x512xf32> to vector<64x512xf32>
    %mul3A_12 = arith.mulf %dot_general3A_11, %mul3A : vector<64x512xf32>
    %swap3A = arith.constant 0 : index
    %swap3A_13 = arith.constant 0 : index
    %swap3A_14 = vector.load %arg4[%swap3A, %swap3A_13] : memref<64x512xf32, #tpu.memory_space<vmem>>, vector<64x512xf32>
    tpu.vector_store %arg4[%swap3A, %swap3A_13], %mul3A_12 {strides = array<i32>} : memref<64x512xf32, #tpu.memory_space<vmem>>, vector<64x512xf32>,
    %swap3A_15 = arith.constant 0 : index
    %swap3A_16 = arith.constant 0 : index
    %swap3A_17 = vector.load %arg5[%swap3A_15, %swap3A_16] : memref<1x512xf32, #tpu.memory_space<vmem>>, vector<1x512xf32>
    tpu.vector_store %arg5[%swap3A_15, %swap3A_16], %rsqrt3A {strides = array<i32>} : memref<1x512xf32, #tpu.memory_space<vmem>>, vector<1x512xf32>,
    %div3A = arith.constant 1.000000e+00 : f32
    %div3A_18 = vector.broadcast %div3A : f32 to vector<1x512xf32>
    %div3A_19 = arith.divf %div3A_18, %add3A_4 : vector<1x512xf32>
    %swap3A_20 = arith.constant 0 : index
    %swap3A_21 = arith.constant 0 : index
    %swap3A_22 = vector.load %arg6[%swap3A_20, %swap3A_21] : memref<1x512xf32, #tpu.memory_space<vmem>>, vector<1x512xf32>
    tpu.vector_store %arg6[%swap3A_20, %swap3A_21], %div3A_19 {strides = array<i32>} : memref<1x512xf32, #tpu.memory_space<vmem>>, vector<1x512xf32>,
    return
  }
  func.func @transform_0(%arg0: i32) -> (i32, i32) {
    %c0_i32 = arith.constant 0 : i32
    %c0_i32_0 = arith.constant 0 : i32
    return %arg0, %c0_i32 : i32, i32
  }
  func.func @transform_1(%arg0: i32) -> (i32, i32) {
    %c0_i32 = arith.constant 0 : i32
    %c0_i32_0 = arith.constant 0 : i32
    %c0_i32_1 = arith.constant 0 : i32
    return %c0_i32, %c0_i32_0 : i32, i32
  }
  func.func @transform_2(%arg0: i32) -> (i32, i32) {
    %c0_i32 = arith.constant 0 : i32
    %c0_i32_0 = arith.constant 0 : i32
    return %c0_i32, %arg0 : i32, i32
  }
  func.func @transform_3(%arg0: i32) -> (i32, i32) {
    %c0_i32 = arith.constant 0 : i32
    %c0_i32_0 = arith.constant 0 : i32
    return %c0_i32, %arg0 : i32, i32
  }
  func.func @transform_4(%arg0: i32) -> (i32, i32) {
    %c0_i32 = arith.constant 0 : i32
    %c0_i32_0 = arith.constant 0 : i32
    return %c0_i32, %arg0 : i32, i32
  }
  func.func @transform_5(%arg0: i32) -> (i32, i32) {
    %c0_i32 = arith.constant 0 : i32
    %c0_i32_0 = arith.constant 0 : i32
    return %c0_i32, %arg0 : i32, i32
  }
}

module attributes {stable_mosaic.version = 14 : i64} {
  func.func @_tc3_body(%arg0: i32, %arg1: memref<64x512xf32, #tpu.memory_space<vmem>>, %arg2: memref<1x512xf32, #tpu.memory_space<vmem>>, %arg3: memref<1x64xf32, #tpu.memory_space<vmem>>, %arg4: memref<512x64xf32, #tpu.memory_space<vmem>>) attributes {dimension_semantics = [#tpu.dimension_semantics<arbitrary>], iteration_bounds = array<i64: 20>, scalar_prefetch = 0 : i64, scratch_operands = 0 : i64, tpu.core_type = #tpu.core_type<tc>, window_params = [{transform_indices = @transform_0, window_bounds = array<i64: 64, 512>}, {transform_indices = @transform_1, window_bounds = array<i64: 1, 512>}, {pipeline_mode = #tpu.pipeline_mode<synchronous>, transform_indices = @transform_2, window_bounds = array<i64: 1, 64>}, {transform_indices = @transform_3, window_bounds = array<i64: 512, 64>}]} {
    %get3A = arith.constant 0 : index
    %get3A_0 = arith.constant 0 : index
    %get3A_1 = vector.load %arg1[%get3A, %get3A_0] : memref<64x512xf32, #tpu.memory_space<vmem>>, vector<64x512xf32>
    %get3A_2 = arith.constant 0 : index
    %get3A_3 = arith.constant 0 : index
    %get3A_4 = vector.load %arg2[%get3A_2, %get3A_3] : memref<1x512xf32, #tpu.memory_space<vmem>>, vector<1x512xf32>
    %mul3A = vector.broadcast %get3A_4 : vector<1x512xf32> to vector<64x512xf32>
    %mul3A_5 = arith.mulf %get3A_1, %mul3A : vector<64x512xf32>
    %transpose3A = tpu.transpose %mul3A_5, [1, 0] : vector<64x512xf32> -> vector<512x64xf32>
    %get3A_6 = arith.constant 0 : index
    %get3A_7 = arith.constant 0 : index
    %get3A_8 = vector.load %arg3[%get3A_6, %get3A_7] : memref<1x64xf32, #tpu.memory_space<vmem>>, vector<1x64xf32>
    %add3A = vector.broadcast %get3A_8 : vector<1x64xf32> to vector<512x64xf32>
    %add3A_9 = arith.addf %transpose3A, %add3A : vector<512x64xf32>
    %reduce_max3A = arith.constant dense<0xFF800000> : vector<512xf32>
    %reduce_max3A_10 = vector.multi_reduction <maximumf>, %add3A_9, %reduce_max3A [1] : vector<512x64xf32> to vector<512xf32>
    %broadcast_in_dim3A = vector.shape_cast %reduce_max3A_10 : vector<512xf32> to vector<512x1xf32>
    %sub3A = vector.broadcast %broadcast_in_dim3A : vector<512x1xf32> to vector<512x64xf32>
    %sub3A_11 = arith.subf %add3A_9, %sub3A : vector<512x64xf32>
    %exp3A = math.exp %sub3A_11 : vector<512x64xf32>
    %reduce_sum3A = arith.constant dense<0.000000e+00> : vector<512xf32>
    %reduce_sum3A_12 = vector.multi_reduction <add>, %exp3A, %reduce_sum3A [1] : vector<512x64xf32> to vector<512xf32>
    %broadcast_in_dim3A_13 = vector.shape_cast %reduce_sum3A_12 : vector<512xf32> to vector<512x1xf32>
    %log3A = math.log %broadcast_in_dim3A_13 : vector<512x1xf32>
    %add3A_14 = arith.addf %broadcast_in_dim3A, %log3A : vector<512x1xf32>
    %sub3A_15 = vector.broadcast %add3A_14 : vector<512x1xf32> to vector<512x64xf32>
    %sub3A_16 = arith.subf %add3A_9, %sub3A_15 : vector<512x64xf32>
    %swap3A = arith.constant 0 : index
    %swap3A_17 = arith.constant 0 : index
    %swap3A_18 = vector.load %arg4[%swap3A, %swap3A_17] : memref<512x64xf32, #tpu.memory_space<vmem>>, vector<512x64xf32>
    tpu.vector_store %arg4[%swap3A, %swap3A_17], %sub3A_16 {strides = array<i32>} : memref<512x64xf32, #tpu.memory_space<vmem>>, vector<512x64xf32>,
    return
  }
  func.func @transform_0(%arg0: i32) -> (i32, i32) {
    %c0_i32 = arith.constant 0 : i32
    %c0_i32_0 = arith.constant 0 : i32
    return %c0_i32, %arg0 : i32, i32
  }
  func.func @transform_1(%arg0: i32) -> (i32, i32) {
    %c0_i32 = arith.constant 0 : i32
    %c0_i32_0 = arith.constant 0 : i32
    return %c0_i32, %arg0 : i32, i32
  }
  func.func @transform_2(%arg0: i32) -> (i32, i32) {
    %c0_i32 = arith.constant 0 : i32
    %c0_i32_0 = arith.constant 0 : i32
    %c0_i32_1 = arith.constant 0 : i32
    return %c0_i32, %c0_i32_0 : i32, i32
  }
  func.func @transform_3(%arg0: i32) -> (i32, i32) {
    %c0_i32 = arith.constant 0 : i32
    %c0_i32_0 = arith.constant 0 : i32
    return %arg0, %c0_i32 : i32, i32
  }
}

</mosaic_0001>

<sc_bundles>
// kernel: kernel.10.cloned.1.call-start
scs
__scs_entry_jumppad:
0x0: {  	(pc) =	sbr.rel $0x88, $3  }
0x1: {  	(tag) =	ssettag $0x0;
	lr =	simm.s32 $0x1  }
0x2: {  	[smem:$0x3F9D] =	sst lr;
	_ =	strace $0xD0000000  }
0x3: {  	_ = 	snop  }
0x4: {  	_ = 	snop  }
0x5: {  	_ = 	snop  }
0x6: {  	_ = 	snop  }
0x7: {  	_ = 	snop  }
__scs_overlays_trampoline_lowered:
0x8: {  	[smem:$0x3FAC] =	sst s0  }
0x9: {  	[smem:$0x3FAD] =	sst s1  }
0xa: {  	[smem:$0x3FAE] =	sst s2  }
0xb: {  	[smem:$0x3FAF] =	sst s3  }
0xc: {  	[smem:$0x3FB0] =	sst s4  }
0xd: {  	[smem:$0x3FB1] =	sst s5  }
0xe: {  	[smem:$0x3FB2] =	sst s6  }
0xf: {  	[smem:$0x3FB3] =	sst s7  }
0x10: {  	[smem:$0x3FB4] =	sst s8  }
0x11: {  	[smem:$0x3FB5] =	sst s9;
	s0 =	simm.s32 @!p0 $0x0  }
0x12: {  	s1 =	sld [smem:$0x3F9B];
	s0 =	simm.s32 @p0 $0x1  }
0x13: {  	[smem:$0x3FB6] =	sst s0;
	s0 =	simm.s32 @!p1 $0x0  }
0x14: {  	s2 =	sld [smem:$0x3F9A];
	s0 =	simm.s32 @p1 $0x1  }
0x15: {  	[smem:$0x3FB7] =	sst s0;
	s0 =	simm.s32 @!p2 $0x0  }
0x16: {  	s3 =	sld [smem:$0x3FDB];
	s0 =	simm.s32 @p2 $0x1  }
0x17: {  	s4 =	simm.s32 $0x1BF5;
	[smem:$0x3FB9] =	sst s0  }
0x18: {  	s0 =	sld [smem:$0x3F9C];
	_ =	swait.ge [sflag:s4], $0x0  }
0x19: {  	s7 =	sld [smem:$0x3F9D]  }
0x1a: {  	s8 =	sadd.s32 $0xFFFFE003, lr  }
0x1b: {  	s9 =	sadd.s32 $0xFFFFFEF7, lr;
	s5 =	simm.s32 $0xFFFFFFFF;
	p2 =	slt.u32 s8, $0xFFFFF086  }
0x1c: {  	p1 =	slt.u32 s9, $0xF7A;
	s5 =	simm.s32 @!p2 $0x0  }
0x1d: {  	s5 =	simm.s32 @p1 $0x1;
	p0 =	seq.s32 s7, s2  }
0x1e: {  	s7 =	smul.u32 @!p0 $0xF7A, s2;
	p2 =	seq.s32 @!p0 s5, $0x0  }
0x1f: {  	s9 =	smul.u32 $0xF7A, s1;
	s8 =	simm.s32 @!p0 $0x1BF5;
	p2 =	por !p2, p0  }
0x20: {  	[sflag:s8] =	ssyncset.s32 @!p0 $0xFFFFF086;
	s6 =	sadd.s32 @!p0 s3, s7;
	s7 =	simm.s32 @!p0 $0x108  }
0x21: {  	s3 =	sadd.s32 s3, s9;
	s6 =	sadd.s32 @!p0 $0x88, s6;
	s7 =	simm.s32 @p2 $0x1082  }
0x22: {  	[simem:s7], [sflag:s8] =	dma.local @!p0 [hbm:s6], $0xF7A  }
0x23: {  	s9 =	sor.u32 $0xD0000000, s2;
	s6 =	simm.s32 $0x108;
	_ =	swait.ge @!p0 [sflag:s8], $0x0  }
0x24: {  	s3 =	sadd.s32 $0x88, s3;
	s6 =	simm.s32 @!p1 $0x1082;
	[sflag:s4] =	ssyncset.s32 $0xFFFFF086  }
0x25: {  	[simem:s6], [sflag:s4] =	dma.local [hbm:s3], $0xF7A  }
0x26: {  	[smem:$0x3F9D] =	sst s1;
	(tag) =	ssettag s2;
	_ =	strace s9  }
0x27: {  	s1 =	sld [smem:$0x3FAD]  }
0x28: {  	s2 =	sld [smem:$0x3FAE]  }
0x29: {  	s4 =	sld [smem:$0x3FB0]  }
0x2a: {  	p0 =	seq.s32 s5, $0x0;
	s5 =	sld [smem:$0x3FB1]  }
0x2b: {  	s6 =	sld [smem:$0x3FB2]  }
0x2c: {  	s7 =	sld [smem:$0x3FB3]  }
0x2d: {  	s3 =	simm.s32 $0x108;
	s8 =	sld [smem:$0x3FB4]  }
0x2e: {  	s3 =	simm.s32 @!p0 $0x1082;
	s9 =	sld [smem:$0x3FB5]  }
0x2f: {  	lr =	sadd.s32 s0, s3;
	s0 =	sld [smem:$0x3FAC]  }
0x30: {  	s3 =	sld [smem:$0x3FAF]  }
0x31: {  	[smem:$0x3FB8] =	sst s10  }
0x32: {  	s10 =	sld [smem:$0x3FB6];
	_ =	sdelay $0x3  }
0x33: {  	p0 =	seq.s32 s10, $0x1;
	s10 =	sld [smem:$0x3FB8];
	_ =	sdelay $0x3  }
0x34: {  	[smem:$0x3FB8] =	sst s10  }
0x35: {  	s10 =	sld [smem:$0x3FB7];
	_ =	sdelay $0x3  }
0x36: {  	p1 =	seq.s32 s10, $0x1;
	s10 =	sld [smem:$0x3FB8];
	_ =	sdelay $0x3  }
0x37: {  	[smem:$0x3FB8] =	sst s10  }
0x38: {  	s10 =	sld [smem:$0x3FB9]  }
0x39: {  	_ = 	snop;
	(pc) =	sbr.ind lr, $3  }
0x3a: {  	_ = 	snop  }
0x3b: {  	_ = 	snop  }
0x3c: {  	p2 =	seq.s32 s10, $0x1;
	s10 =	sld [smem:$0x3FB8]  }
0x3d: {  	_ =	shalt  }
0x3e: {  	_ =	shalt  }
0x3f: {  	_ =	shalt  }
0x40: {  	_ =	shalt  }
0x41: {  	_ =	shalt  }
0x42: {  	_ =	shalt  }
0x43: {  	_ =	shalt  }
0x44: {  	_ =	shalt  }
0x45: {  	_ =	shalt  }
0x46: {  	_ =	shalt  }
0x47: {  	_ =	shalt  }
0x48: {  	_ =	shalt  }
0x49: {  	_ =	shalt  }
0x4a: {  	_ =	shalt  }
0x4b: {  	_ =	shalt  }
0x4c: {  	_ =	shalt  }
0x4d: {  	_ =	shalt  }
0x4e: {  	_ =	shalt  }
0x4f: {  	_ =	shalt  }
0x50: {  	_ =	shalt  }
0x51: {  	_ =	shalt  }
0x52: {  	_ =	shalt  }
0x53: {  	_ =	shalt  }
0x54: {  	_ =	shalt  }
0x55: {  	_ =	shalt  }
0x56: {  	_ =	shalt  }
0x57: {  	_ =	shalt  }
0x58: {  	_ =	shalt  }
0x59: {  	_ =	shalt  }
0x5a: {  	_ =	shalt  }
0x5b: {  	_ =	shalt  }
0x5c: {  	_ =	shalt  }
0x5d: {  	_ =	shalt  }
0x5e: {  	_ =	shalt  }
0x5f: {  	_ =	shalt  }
0x60: {  	_ =	shalt  }
0x61: {  	_ =	shalt  }
0x62: {  	_ =	shalt  }
0x63: {  	_ =	shalt  }
0x64: {  	_ =	shalt  }
0x65: {  	_ =	shalt  }
0x66: {  	_ =	shalt  }
0x67: {  	_ =	shalt  }
0x68: {  	_ =	shalt  }
0x69: {  	_ =	shalt  }
0x6a: {  	_ =	shalt  }
0x6b: {  	_ =	shalt  }
0x6c: {  	_ =	shalt  }
0x6d: {  	_ =	shalt  }
0x6e: {  	_ =	shalt  }
0x6f: {  	_ =	shalt  }
0x70: {  	_ =	shalt  }
0x71: {  	_ =	shalt  }
0x72: {  	_ =	shalt  }
0x73: {  	_ =	shalt  }
0x74: {  	_ =	shalt  }
0x75: {  	_ =	shalt  }
0x76: {  	_ =	shalt  }
0x77: {  	_ =	shalt  }
0x78: {  	_ =	shalt  }
0x79: {  	_ =	shalt  }
0x7a: {  	_ =	shalt  }
0x7b: {  	_ =	shalt  }
0x7c: {  	_ =	shalt  }
0x7d: {  	_ =	shalt  }
0x7e: {  	_ =	shalt  }
0x7f: {  	_ =	shalt  }
0x80: {  	_ =	shalt  }
0x81: {  	_ =	shalt  }
0x82: {  	_ =	shalt  }
0x83: {  	_ =	shalt  }
0x84: {  	_ =	shalt  }
0x85: {  	_ =	shalt  }
0x86: {  	_ =	shalt  }
0x87: {  	_ =	shalt  }
.Lfunc_end0:
.L_simem_size_0:
called_computation.1_lowered:
.L_overlay_start_0:
0x88: {  	s2 =	sld [smem:$0x3FD9]  }
0x89: {  	s3 =	sld [smem:$0x3FFE];
	_ =	sdelay $0x1  }
0x8a: {  	s1 =	srdreg.scid  }
0x8b: {  	s0 =	sand.u32 $0x1, s1  }
0x8c: {  	s16 =	sshll.u32 s0, $0xA;
	s2 =	sadd.s32 s3, s2  }
0x8d: {  	s2 =	sadd.s32 s2, s16  }
0x8e: {  	[smem:$0x3FC4] =	sst s2  }
0x8f: {  	_ = 	snop  }
0x90: {  	(tm) =	ssettm $0x1  }
0x91: {  	s17 =	sld [smem:$0x3FFB];
	_ =	sdelay $0x3  }
0x92: {  	_ =	strace s17  }
0x93: {  	s2 =	sld [smem:$0x3FFC];
	_ =	sdelay $0x3  }
0x94: {  	_ =	strace s2  }
0x95: {  	s2 =	sld [smem:$0x3FFD];
	_ =	sdelay $0x3  }
0x96: {  	_ =	strace s2  }
0x97: {  	_ =	strace $0x8FFFFFFF  }
0x98: {  	s18 =	sld [smem:$0x3FDB];
	_ =	sdelay $0x1  }
0x99: {  	s19 =	simm.s32 $_scs_section_size  }
0x9a: {  	s4 =	simm.s32 $_size__tile_overlayer_lowered;
	s5 =	simm.s32 $_tile_overlayer_lowered  }
0x9b: {  	s22 =	simm.s32 $0x1BFF;
	s21 =	sshll.u32 s5, $0x1;
	s2 =	sadd.s32 s19, s18  }
0x9c: {  	s6 =	simm.s32 $0x0;
	s20 =	sshll.u32 s4, $0x1;
	s4 =	sadd.s32 s21, s2  }
0x9d: {  	[timem:s6], [sflag:s22] =	dma.local [hbm:s4], s20  }
0x9e: {  	_ =	swait.ge [sflag:s22], s20  }
0x9f: {  	s3 =	ssub.s32 $0x0, s20;
	[sflag:s22] =	ssyncset.done $0x0  }
0xa0: {  	[sflag:s22] =	ssyncadd.s32 s3;
	_ =	sdelay $0x1  }
0xa1: {  	s23 =	simm.s32 $0x1B8B  }
0xa2: {  	_ =	swait.ge [sflag:s23], $0x1  }
0xa3: {  	[sflag:s23] =	ssyncset.done $0x0  }
0xa4: {  	s25 =	simm.s32 $0x1B8E;
	s24 =	sld [smem:$0x3FFE];
	[sflag:s23] =	ssyncadd.s32 $0xFFFFFFFF  }
0xa5: {  	s26 =	simm.s32 $execute0_lowered;
	[smem:$0x3FD2] =	sst s25  }
0xa6: {  	s4 =	sshll.u32 s26, $0x1;
	_ =	strace $0x80000049;
	[dreg:$0x1] =	wrdreg $0xFFFFFFFF  }
0xa7: {  	s28 =	simm.s32 $_size_execute0_lowered;
	s2 =	sadd.s32 s2, s4;
	[dreg:$0x0] =	wrdreg $0x0  }
0xa8: {  	s4 =	sshll.u32 s28, $0x1;
	[dreg:$0x2] =	wrdreg s2  }
0xa9: {  	[dreg:$0x3] =	wrdreg s4  }
0xaa: {  	[dreg:$0x4] =	wrdreg $0xC0  }
0xab: {  	_ =	task [dreg:s6], $0x5FFFF  }
0xac: {  	[dreg:$0x1] =	wrdreg $0xFFFFFFFF  }
0xad: {  	[dreg:$0x0] =	wrdreg $0x60  }
0xae: {  	[dreg:$0x2] =	wrdreg s24  }
0xaf: {  	[dreg:$0x3] =	wrdreg $0x9  }
0xb0: {  	_ =	task.clear_ibuf [dreg:s6], $0x4FFFF;
	_ =	strace $0x90000049  }
0xb1: {  	s29 =	simm.s32 $0x9;
	_ =	strace $0x8000004B  }
0xb2: {  	_ =	swait.ge [sflag:s29], $0x1  }
0xb3: {  	[sflag:s29] =	ssyncadd.s32 $0xFFFFFFFF  }
0xb4: {  	_ =	strace $0x9000004B  }
0xb5: {  	_ =	sfence  }
0xb6: {  	s30 =	sld [smem:$0x0];
	_ =	sdelay $0x2  }
0xb7: {  	s31 =	sshll.u32 s1, $0xD;
	s1 =	sshrl.u32 s1, $0x2  }
0xb8: {  	s3 =	sand.u32 $0x4000, s31;
	s1 =	sadd.s32 s1, s30  }
0xb9: {  	s0 =	sor.u32 s3, s0;
	s1 =	sshll.u32 s1, $0x11  }
0xba: {  	s0 =	sor.u32 s1, s0  }
0xbb: {  	s0 =	sadd.s32 $0x8F2B, s0  }
0xbc: {  	[sflag:s0] =	ssyncadd.remote.s32 $0x1  }
0xbd: {  	_ =	sfence.sel $0xFFFF  }
0xbe: {  	[dreg:$0x0] =	wrdreg $0xFFFFFFFF;
	(pc) =	sbr.abs _section_cstart, $3  }
0xbf: {  	[dreg:$0x1] =	wrdreg $0xFFFFFFFF  }
0xc0: {  	_ =	task.clear_ibuf [dreg:s6], $0x2FFFF;
	_ =	strace $0x9FFFFFFF  }
0xc1: {  	(tm) =	ssettm $0x7FFFFFFF  }
tec
execute0_lowered:
.L_overlay_start_1:
0x0: {  	(tag) =	ssettag $0x1  }
0x1: {  	s1 =	srdreg.scid  }
0x2: {  	s0 =	stileid.u32;
	s3 =	sand.u32 $0x1, s1  }
0x3: {  	s4 =	rddreg [dreg:$0x0];
	s2 =	sshll.u32 s0, $0x1;
	s1 =	sshll.u32 s3, $0x5  }
0x4: {  	s9 =	simm.s32 $0x400;
	s10 =	simm.s32 $0x1;
	s1 =	sor.u32 s2, s1  }
0x5: {  	s11 =	simm.s32 $0x5000;
	s12 =	simm.s32 $0xA000;
	s1 =	sshrl.u32 s1, $0x3  }
0x6: {  	s13 =	simm.s32 $0xD200;
	s6 =	sshll.u32 s0, $0x8;
	s5 =	smul.u32 $0x14000, s1  }
0x7: {  	s14 =	simm.s32 $0x0;
	s6 =	sand.u32 $0x300, s6;
	s30 =	ssub.s32 $0x2, s3  }
0x8: {  	s3 =	sadd.s32 $0x1400, s4;
	s2 =	simm.s32 $0x0;
	s5 =	sor.u32 s6, s5  }
0x9: {  	s31 =	sshrl.u32 s30, $0x1;
	[smem:$0x7FF] =	sst s2;
	s5 =	sshrl.u32 s5, $0x3  }
0xa: {  	s8 =	ssub.s32 s30, s31;
	s1 =	rddreg [dreg:$0x1];
	s7 =	sadd.s32 s5, s4  }
0xb: {  	_ =	strace $0x8000004A;
	s4 =	sadd.s32 $0xB200, s4;
	s5 =	sadd.s32 $0x15000, s7  }
0xc: {  	s6 =	sadd.s32 $0x29000, s7;
	s7 =	smax.u32 s8, $0x1;
	s8 =	simm.s32 $0x100  }
.LBB2_1:
0xd: {  	[tilespmem:s2], [sflag:$0x1] =	stream.strided.gather [hbm4b:s5+s8], $0x5000, s9, s8, $0x38;
	[tilespmem:$0x10400] =	vst v63  }
0xe: {  	_ =	swait.ge [sflag:s10], $0x5000  }
0xf: {  	[sflag:s10] =	ssyncset.done $0x0  }
0x10: {  	[sflag:s10] =	ssyncadd.s32 $0xFFFFB000  }
0x11: {  	[tilespmem:s11], [sflag:$0x1] =	stream.strided.gather [hbm4b:s5+s8], $0x5000, s9, s8, $0x38;
	[tilespmem:$0x10400] =	vst v63  }
0x12: {  	_ =	swait.ge [sflag:s10], $0x5000  }
0x13: {  	[sflag:s10] =	ssyncset.done $0x0  }
0x14: {  	s15 =	simm.s32 $0x0;
	[sflag:s10] =	ssyncadd.s32 $0xFFFFB000  }
.LBB2_2:
0x15: {  	s17 =	smul.u32 $0x640, s15;
	_ =	sdelay $0x1  }
0x16: {  	s16 =	simm.s32 $0x0;
	s18 =	sadd.s32 s3, s17  }
0x17: {  	[tilespmem:s12], [sflag:$0x1] =	stream.linear.gather [hbm4b:s18+s16], $0x3200, $0x38;
	[tilespmem:$0x10400] =	vst v63  }
0x18: {  	_ =	swait.ge [sflag:s10], $0x3200  }
0x19: {  	[sflag:s10] =	ssyncset.done $0x0  }
0x1a: {  	s17 =	sadd.s32 s4, s17;
	[sflag:s10] =	ssyncadd.s32 $0xFFFFCE00  }
0x1b: {  	[tilespmem:s13], [sflag:$0x1] =	stream.linear.gather [hbm4b:s17+s16], $0x3200, $0x38;
	[tilespmem:$0x10400] =	vst v63  }
0x1c: {  	_ =	swait.ge [sflag:s10], $0x3200  }
0x1d: {  	[sflag:s10] =	ssyncset.done $0x0  }
0x1e: {  	[sflag:s10] =	ssyncadd.s32 $0xFFFFCE00  }
.LBB2_3:
0x1f: {  	s17 =	sshra.s32 s16, $0x2  }
0x20: {  	v0 =	vld [tilespmem:s17+$0xA000];
	_ =	sdelay $0x4  }
0x21: {  	v1 =	vld [tilespmem:s17+$0xD200];
	v2 =	vshll.u32 v0, $0x1  }
0x22: {  	v0 =	vand.u32 $0x7F, v0;
	v2 =	vand.u32 $0xFFFFFF00, v2  }
0x23: {  	v0 =	vor.u32 v0, v2;
	_ =	sdelay $0x2  }
0x24: {  	v49 =	vshll.u32 v1, $0x1  }
0x25: {  	v1 =	vand.u32 $0x7F, v1;
	v2 =	vand.u32 $0xFFFFFF00, v49  }
0x26: {  	v1 =	vor.u32 v1, v2;
	v3 =	vld.idx.msk [tilespmem:v0+s2+$0x0], $0xffff  }
0x27: {  	v0 =	vor.u32 $0x80, v0;
	_ =	sdelay $0x3  }
0x28: {  	[tilespmem:v1+s11+$0x0] =	vst.idx.add.f32.msk $0xffff, v3  }
0x29: {  	v1 =	vor.u32 $0x80, v1;
	v0 =	vld.idx.msk [tilespmem:v0+s2+$0x0], $0xffff;
	_ =	sdelay $0x4  }
0x2a: {  	[tilespmem:v1+s11+$0x0] =	vst.idx.add.f32.msk $0xffff, v0  }
0x2b: {  	v0 =	vld [tilespmem:s17+$0xA010];
	_ =	sdelay $0x4  }
0x2c: {  	v1 =	vld [tilespmem:s17+$0xD210];
	v50 =	vshll.u32 v0, $0x1  }
0x2d: {  	v0 =	vand.u32 $0x7F, v0;
	v2 =	vand.u32 $0xFFFFFF00, v50  }
0x2e: {  	v0 =	vor.u32 v0, v2;
	_ =	sdelay $0x2  }
0x2f: {  	v51 =	vshll.u32 v1, $0x1  }
0x30: {  	v1 =	vand.u32 $0x7F, v1;
	v2 =	vand.u32 $0xFFFFFF00, v51  }
0x31: {  	v1 =	vor.u32 v1, v2;
	v3 =	vld.idx.msk [tilespmem:v0+s2+$0x0], $0xffff  }
0x32: {  	v0 =	vor.u32 $0x80, v0;
	_ =	sdelay $0x3  }
0x33: {  	[tilespmem:v1+s11+$0x0] =	vst.idx.add.f32.msk $0xffff, v3  }
0x34: {  	v1 =	vor.u32 $0x80, v1;
	v0 =	vld.idx.msk [tilespmem:v0+s2+$0x0], $0xffff;
	_ =	sdelay $0x4  }
0x35: {  	[tilespmem:v1+s11+$0x0] =	vst.idx.add.f32.msk $0xffff, v0  }
0x36: {  	v0 =	vld [tilespmem:s17+$0xA020];
	_ =	sdelay $0x4  }
0x37: {  	v1 =	vld [tilespmem:s17+$0xD220];
	v52 =	vshll.u32 v0, $0x1  }
0x38: {  	v0 =	vand.u32 $0x7F, v0;
	v2 =	vand.u32 $0xFFFFFF00, v52  }
0x39: {  	v0 =	vor.u32 v0, v2;
	_ =	sdelay $0x2  }
0x3a: {  	v53 =	vshll.u32 v1, $0x1  }
0x3b: {  	v1 =	vand.u32 $0x7F, v1;
	v2 =	vand.u32 $0xFFFFFF00, v53  }
0x3c: {  	v1 =	vor.u32 v1, v2;
	v3 =	vld.idx.msk [tilespmem:v0+s2+$0x0], $0xffff  }
0x3d: {  	v0 =	vor.u32 $0x80, v0;
	_ =	sdelay $0x3  }
0x3e: {  	[tilespmem:v1+s11+$0x0] =	vst.idx.add.f32.msk $0xffff, v3  }
0x3f: {  	v1 =	vor.u32 $0x80, v1;
	v0 =	vld.idx.msk [tilespmem:v0+s2+$0x0], $0xffff;
	_ =	sdelay $0x4  }
0x40: {  	[tilespmem:v1+s11+$0x0] =	vst.idx.add.f32.msk $0xffff, v0  }
0x41: {  	v0 =	vld [tilespmem:s17+$0xA030];
	_ =	sdelay $0x4  }
0x42: {  	v1 =	vld [tilespmem:s17+$0xD230];
	v54 =	vshll.u32 v0, $0x1  }
0x43: {  	v0 =	vand.u32 $0x7F, v0;
	v2 =	vand.u32 $0xFFFFFF00, v54  }
0x44: {  	v0 =	vor.u32 v0, v2;
	_ =	sdelay $0x2  }
0x45: {  	v55 =	vshll.u32 v1, $0x1  }
0x46: {  	v1 =	vand.u32 $0x7F, v1;
	v2 =	vand.u32 $0xFFFFFF00, v55  }
0x47: {  	v1 =	vor.u32 v1, v2;
	v3 =	vld.idx.msk [tilespmem:v0+s2+$0x0], $0xffff  }
0x48: {  	v0 =	vor.u32 $0x80, v0;
	_ =	sdelay $0x3  }
0x49: {  	[tilespmem:v1+s11+$0x0] =	vst.idx.add.f32.msk $0xffff, v3  }
0x4a: {  	v1 =	vor.u32 $0x80, v1;
	v0 =	vld.idx.msk [tilespmem:v0+s2+$0x0], $0xffff;
	_ =	sdelay $0x4  }
0x4b: {  	[tilespmem:v1+s11+$0x0] =	vst.idx.add.f32.msk $0xffff, v0  }
0x4c: {  	v0 =	vld [tilespmem:s17+$0xA040];
	_ =	sdelay $0x4  }
0x4d: {  	v1 =	vld [tilespmem:s17+$0xD240];
	v56 =	vshll.u32 v0, $0x1  }
0x4e: {  	v0 =	vand.u32 $0x7F, v0;
	v2 =	vand.u32 $0xFFFFFF00, v56  }
0x4f: {  	v0 =	vor.u32 v0, v2;
	_ =	sdelay $0x2  }
0x50: {  	v57 =	vshll.u32 v1, $0x1  }
0x51: {  	v1 =	vand.u32 $0x7F, v1;
	v2 =	vand.u32 $0xFFFFFF00, v57  }
0x52: {  	v1 =	vor.u32 v1, v2;
	v3 =	vld.idx.msk [tilespmem:v0+s2+$0x0], $0xffff  }
0x53: {  	v0 =	vor.u32 $0x80, v0;
	_ =	sdelay $0x3  }
0x54: {  	[tilespmem:v1+s11+$0x0] =	vst.idx.add.f32.msk $0xffff, v3  }
0x55: {  	v1 =	vor.u32 $0x80, v1;
	v0 =	vld.idx.msk [tilespmem:v0+s2+$0x0], $0xffff;
	_ =	sdelay $0x4  }
0x56: {  	[tilespmem:v1+s11+$0x0] =	vst.idx.add.f32.msk $0xffff, v0  }
0x57: {  	v0 =	vld [tilespmem:s17+$0xA050];
	_ =	sdelay $0x4  }
0x58: {  	v1 =	vld [tilespmem:s17+$0xD250];
	v58 =	vshll.u32 v0, $0x1  }
0x59: {  	v0 =	vand.u32 $0x7F, v0;
	v2 =	vand.u32 $0xFFFFFF00, v58  }
0x5a: {  	v0 =	vor.u32 v0, v2;
	_ =	sdelay $0x2  }
0x5b: {  	v59 =	vshll.u32 v1, $0x1  }
0x5c: {  	v1 =	vand.u32 $0x7F, v1;
	v2 =	vand.u32 $0xFFFFFF00, v59  }
0x5d: {  	v1 =	vor.u32 v1, v2;
	v3 =	vld.idx.msk [tilespmem:v0+s2+$0x0], $0xffff  }
0x5e: {  	v0 =	vor.u32 $0x80, v0;
	_ =	sdelay $0x3  }
0x5f: {  	[tilespmem:v1+s11+$0x0] =	vst.idx.add.f32.msk $0xffff, v3  }
0x60: {  	v1 =	vor.u32 $0x80, v1;
	v0 =	vld.idx.msk [tilespmem:v0+s2+$0x0], $0xffff;
	_ =	sdelay $0x4  }
0x61: {  	[tilespmem:v1+s11+$0x0] =	vst.idx.add.f32.msk $0xffff, v0  }
0x62: {  	v0 =	vld [tilespmem:s17+$0xA060];
	_ =	sdelay $0x4  }
0x63: {  	v1 =	vld [tilespmem:s17+$0xD260];
	v60 =	vshll.u32 v0, $0x1  }
0x64: {  	v0 =	vand.u32 $0x7F, v0;
	v2 =	vand.u32 $0xFFFFFF00, v60  }
0x65: {  	v0 =	vor.u32 v0, v2;
	_ =	sdelay $0x2  }
0x66: {  	v61 =	vshll.u32 v1, $0x1  }
0x67: {  	v1 =	vand.u32 $0x7F, v1;
	v2 =	vand.u32 $0xFFFFFF00, v61  }
0x68: {  	v1 =	vor.u32 v1, v2;
	v3 =	vld.idx.msk [tilespmem:v0+s2+$0x0], $0xffff  }
0x69: {  	v0 =	vor.u32 $0x80, v0;
	_ =	sdelay $0x3  }
0x6a: {  	[tilespmem:v1+s11+$0x0] =	vst.idx.add.f32.msk $0xffff, v3  }
0x6b: {  	v1 =	vor.u32 $0x80, v1;
	v0 =	vld.idx.msk [tilespmem:v0+s2+$0x0], $0xffff;
	_ =	sdelay $0x4  }
0x6c: {  	[tilespmem:v1+s11+$0x0] =	vst.idx.add.f32.msk $0xffff, v0  }
0x6d: {  	v0 =	vld [tilespmem:s17+$0xA070];
	_ =	sdelay $0x4  }
0x6e: {  	v1 =	vld [tilespmem:s17+$0xD270];
	v62 =	vshll.u32 v0, $0x1  }
0x6f: {  	v0 =	vand.u32 $0x7F, v0;
	v2 =	vand.u32 $0xFFFFFF00, v62  }
0x70: {  	v0 =	vor.u32 v0, v2;
	_ =	sdelay $0x2  }
0x71: {  	v63 =	vshll.u32 v1, $0x1  }
0x72: {  	v1 =	vand.u32 $0x7F, v1;
	v2 =	vand.u32 $0xFFFFFF00, v63  }
0x73: {  	v1 =	vor.u32 v1, v2;
	v3 =	vld.idx.msk [tilespmem:v0+s2+$0x0], $0xffff  }
0x74: {  	v0 =	vor.u32 $0x80, v0;
	_ =	sdelay $0x3  }
0x75: {  	[tilespmem:v1+s11+$0x0] =	vst.idx.add.f32.msk $0xffff, v3  }
0x76: {  	p0 =	sne.s32 s16, $0xC600;
	v1 =	vor.u32 $0x80, v1;
	v0 =	vld.idx.msk [tilespmem:v0+s2+$0x0], $0xffff  }
.Ltmp0:
0x77: {  	_ = 	snop;
	(pc) =	sbr.rel @p0 .LBB2_3-.Ltmp0, $2  }
0x78: {  	_ =	sdelay $0x2  }
0x79: {  	s16 =	sadd.s32 $0x200, s16;
	[tilespmem:v1+s11+$0x0] =	vst.idx.add.f32.msk $0xffff, v0  }
0x7a: {  	s15 =	sadd.s32 $0x1, s15  }
0x7b: {  	p0 =	sne.s32 s15, $0x19  }
.Ltmp1:
0x7c: {  	_ = 	snop;
	(pc) =	sbr.rel @p0 .LBB2_2-.Ltmp1, $1  }
0x7d: {  	_ =	sdelay $0x3  }
0x7e: {  	s14 =	sadd.s32 $0x1, s14  }
0x7f: {  	p0 =	sne.s32 s14, s7  }
.Ltmp2:
0x80: {  	_ = 	snop;
	(pc) =	sbr.rel @p0 .LBB2_1-.Ltmp2, $4  }
0x81: {  	[hbm4b:s6+s8] =	stream.strided.scatter [tilespmem:s11], [sflag:$0x1], $0x5000, s9, s8, $0x38;
	[tilespmem:$0x10400] =	vst v63  }
0x82: {  	_ =	swait.ge [sflag:s10], $0x5000  }
0x83: {  	[sflag:s10] =	ssyncset.done $0x0  }
0x84: {  	[sflag:s10] =	ssyncadd.s32 $0xFFFFB000  }
0x85: {  	_ =	sfence.sel $0x180000  }
0x86: {  	[bflag:$0x0] =	sbarrier.arrive $0xFFFF  }
0x87: {  	p0 =	sne.s32 s0, $0x0;
	_ =	strace $0x9000004A  }
0x88: {  	s0 =	sadd.s32 @!p0 $0x100000, s1;
	[bflag:$0x2] =	sbarrier.arrive $0xFFFF  }
0x89: {  	[sflag:s0] =	ssyncadd.tile.s32 @!p0 $0x1;
	_ =	shalt  }
.Lfunc_end2:
_tile_overlayer_lowered:
.L_overlay_start_2:
0x8a: {  	(tag) =	ssettag $0x2  }
0x8b: {  	s0 =	rddreg [dreg:$0x0];
	s2 =	stileid.u32  }
0x8c: {  	s1 =	rddreg [dreg:$0x1];
	p0 =	sne.s32 s2, $0x0  }
0x8d: {  	s3 =	rddreg [dreg:$0x2];
	[bflag:$0x3] =	sbarrier.arrive $0xFFFF;
	s2 =	simm.s32 @!p0 $0x1C01  }
0x8e: {  	[timem:s3], [sflag:s2] =	dma.local @!p0 [hbm:s0], s1  }
0x8f: {  	s0 =	simm.s32 @!p0 $0x1  }
0x90: {  	_ =	swait.ge @!p0 [sflag:s0], s1  }
0x91: {  	s1 =	ssub.s32 @!p0 $0x0, s1;
	[sflag:s0] =	ssyncset.done @!p0 $0x0  }
0x92: {  	[sflag:s0] =	ssyncadd.s32 @!p0 s1  }
0x93: {  	[bflag:$0x3] =	sbarrier.arrive $0xFFFF  }
0x94: {  	_ =	shalt  }

// kernel: kernel.13.cloned.1.call-start
scs
__scs_entry_jumppad:
0x0: {  	(pc) =	sbr.rel $0x88, $3  }
0x1: {  	(tag) =	ssettag $0x0;
	lr =	simm.s32 $0x1  }
0x2: {  	[smem:$0x3F9D] =	sst lr;
	_ =	strace $0xD0000000  }
0x3: {  	_ = 	snop  }
0x4: {  	_ = 	snop  }
0x5: {  	_ = 	snop  }
0x6: {  	_ = 	snop  }
0x7: {  	_ = 	snop  }
__scs_overlays_trampoline_lowered:
0x8: {  	[smem:$0x3FAC] =	sst s0  }
0x9: {  	[smem:$0x3FAD] =	sst s1  }
0xa: {  	[smem:$0x3FAE] =	sst s2  }
0xb: {  	[smem:$0x3FAF] =	sst s3  }
0xc: {  	[smem:$0x3FB0] =	sst s4  }
0xd: {  	[smem:$0x3FB1] =	sst s5  }
0xe: {  	[smem:$0x3FB2] =	sst s6  }
0xf: {  	[smem:$0x3FB3] =	sst s7  }
0x10: {  	[smem:$0x3FB4] =	sst s8  }
0x11: {  	[smem:$0x3FB5] =	sst s9;
	s0 =	simm.s32 @!p0 $0x0  }
0x12: {  	s1 =	sld [smem:$0x3F9B];
	s0 =	simm.s32 @p0 $0x1  }
0x13: {  	[smem:$0x3FB6] =	sst s0;
	s0 =	simm.s32 @!p1 $0x0  }
0x14: {  	s2 =	sld [smem:$0x3F9A];
	s0 =	simm.s32 @p1 $0x1  }
0x15: {  	[smem:$0x3FB7] =	sst s0;
	s0 =	simm.s32 @!p2 $0x0  }
0x16: {  	s3 =	sld [smem:$0x3FDB];
	s0 =	simm.s32 @p2 $0x1  }
0x17: {  	s4 =	simm.s32 $0x1BF5;
	[smem:$0x3FB9] =	sst s0  }
0x18: {  	s0 =	sld [smem:$0x3F9C];
	_ =	swait.ge [sflag:s4], $0x0  }
0x19: {  	s7 =	sld [smem:$0x3F9D]  }
0x1a: {  	s8 =	sadd.s32 $0xFFFFE003, lr  }
0x1b: {  	s9 =	sadd.s32 $0xFFFFFEF7, lr;
	s5 =	simm.s32 $0xFFFFFFFF;
	p2 =	slt.u32 s8, $0xFFFFF086  }
0x1c: {  	p1 =	slt.u32 s9, $0xF7A;
	s5 =	simm.s32 @!p2 $0x0  }
0x1d: {  	s5 =	simm.s32 @p1 $0x1;
	p0 =	seq.s32 s7, s2  }
0x1e: {  	s7 =	smul.u32 @!p0 $0xF7A, s2;
	p2 =	seq.s32 @!p0 s5, $0x0  }
0x1f: {  	s9 =	smul.u32 $0xF7A, s1;
	s8 =	simm.s32 @!p0 $0x1BF5;
	p2 =	por !p2, p0  }
0x20: {  	[sflag:s8] =	ssyncset.s32 @!p0 $0xFFFFF086;
	s6 =	sadd.s32 @!p0 s3, s7;
	s7 =	simm.s32 @!p0 $0x108  }
0x21: {  	s3 =	sadd.s32 s3, s9;
	s6 =	sadd.s32 @!p0 $0x88, s6;
	s7 =	simm.s32 @p2 $0x1082  }
0x22: {  	[simem:s7], [sflag:s8] =	dma.local @!p0 [hbm:s6], $0xF7A  }
0x23: {  	s9 =	sor.u32 $0xD0000000, s2;
	s6 =	simm.s32 $0x108;
	_ =	swait.ge @!p0 [sflag:s8], $0x0  }
0x24: {  	s3 =	sadd.s32 $0x88, s3;
	s6 =	simm.s32 @!p1 $0x1082;
	[sflag:s4] =	ssyncset.s32 $0xFFFFF086  }
0x25: {  	[simem:s6], [sflag:s4] =	dma.local [hbm:s3], $0xF7A  }
0x26: {  	[smem:$0x3F9D] =	sst s1;
	(tag) =	ssettag s2;
	_ =	strace s9  }
0x27: {  	s1 =	sld [smem:$0x3FAD]  }
0x28: {  	s2 =	sld [smem:$0x3FAE]  }
0x29: {  	s4 =	sld [smem:$0x3FB0]  }
0x2a: {  	p0 =	seq.s32 s5, $0x0;
	s5 =	sld [smem:$0x3FB1]  }
0x2b: {  	s6 =	sld [smem:$0x3FB2]  }
0x2c: {  	s7 =	sld [smem:$0x3FB3]  }
0x2d: {  	s3 =	simm.s32 $0x108;
	s8 =	sld [smem:$0x3FB4]  }
0x2e: {  	s3 =	simm.s32 @!p0 $0x1082;
	s9 =	sld [smem:$0x3FB5]  }
0x2f: {  	lr =	sadd.s32 s0, s3;
	s0 =	sld [smem:$0x3FAC]  }
0x30: {  	s3 =	sld [smem:$0x3FAF]  }
0x31: {  	[smem:$0x3FB8] =	sst s10  }
0x32: {  	s10 =	sld [smem:$0x3FB6];
	_ =	sdelay $0x3  }
0x33: {  	p0 =	seq.s32 s10, $0x1;
	s10 =	sld [smem:$0x3FB8];
	_ =	sdelay $0x3  }
0x34: {  	[smem:$0x3FB8] =	sst s10  }
0x35: {  	s10 =	sld [smem:$0x3FB7];
	_ =	sdelay $0x3  }
0x36: {  	p1 =	seq.s32 s10, $0x1;
	s10 =	sld [smem:$0x3FB8];
	_ =	sdelay $0x3  }
0x37: {  	[smem:$0x3FB8] =	sst s10  }
0x38: {  	s10 =	sld [smem:$0x3FB9]  }
0x39: {  	_ = 	snop;
	(pc) =	sbr.ind lr, $3  }
0x3a: {  	_ = 	snop  }
0x3b: {  	_ = 	snop  }
0x3c: {  	p2 =	seq.s32 s10, $0x1;
	s10 =	sld [smem:$0x3FB8]  }
0x3d: {  	_ =	shalt  }
0x3e: {  	_ =	shalt  }
0x3f: {  	_ =	shalt  }
0x40: {  	_ =	shalt  }
0x41: {  	_ =	shalt  }
0x42: {  	_ =	shalt  }
0x43: {  	_ =	shalt  }
0x44: {  	_ =	shalt  }
0x45: {  	_ =	shalt  }
0x46: {  	_ =	shalt  }
0x47: {  	_ =	shalt  }
0x48: {  	_ =	shalt  }
0x49: {  	_ =	shalt  }
0x4a: {  	_ =	shalt  }
0x4b: {  	_ =	shalt  }
0x4c: {  	_ =	shalt  }
0x4d: {  	_ =	shalt  }
0x4e: {  	_ =	shalt  }
0x4f: {  	_ =	shalt  }
0x50: {  	_ =	shalt  }
0x51: {  	_ =	shalt  }
0x52: {  	_ =	shalt  }
0x53: {  	_ =	shalt  }
0x54: {  	_ =	shalt  }
0x55: {  	_ =	shalt  }
0x56: {  	_ =	shalt  }
0x57: {  	_ =	shalt  }
0x58: {  	_ =	shalt  }
0x59: {  	_ =	shalt  }
0x5a: {  	_ =	shalt  }
0x5b: {  	_ =	shalt  }
0x5c: {  	_ =	shalt  }
0x5d: {  	_ =	shalt  }
0x5e: {  	_ =	shalt  }
0x5f: {  	_ =	shalt  }
0x60: {  	_ =	shalt  }
0x61: {  	_ =	shalt  }
0x62: {  	_ =	shalt  }
0x63: {  	_ =	shalt  }
0x64: {  	_ =	shalt  }
0x65: {  	_ =	shalt  }
0x66: {  	_ =	shalt  }
0x67: {  	_ =	shalt  }
0x68: {  	_ =	shalt  }
0x69: {  	_ =	shalt  }
0x6a: {  	_ =	shalt  }
0x6b: {  	_ =	shalt  }
0x6c: {  	_ =	shalt  }
0x6d: {  	_ =	shalt  }
0x6e: {  	_ =	shalt  }
0x6f: {  	_ =	shalt  }
0x70: {  	_ =	shalt  }
0x71: {  	_ =	shalt  }
0x72: {  	_ =	shalt  }
0x73: {  	_ =	shalt  }
0x74: {  	_ =	shalt  }
0x75: {  	_ =	shalt  }
0x76: {  	_ =	shalt  }
0x77: {  	_ =	shalt  }
0x78: {  	_ =	shalt  }
0x79: {  	_ =	shalt  }
0x7a: {  	_ =	shalt  }
0x7b: {  	_ =	shalt  }
0x7c: {  	_ =	shalt  }
0x7d: {  	_ =	shalt  }
0x7e: {  	_ =	shalt  }
0x7f: {  	_ =	shalt  }
0x80: {  	_ =	shalt  }
0x81: {  	_ =	shalt  }
0x82: {  	_ =	shalt  }
0x83: {  	_ =	shalt  }
0x84: {  	_ =	shalt  }
0x85: {  	_ =	shalt  }
0x86: {  	_ =	shalt  }
0x87: {  	_ =	shalt  }
.Lfunc_end0:
.L_simem_size_0:
called_computation.2_lowered:
.L_overlay_start_0:
0x88: {  	s2 =	sld [smem:$0x3FD9]  }
0x89: {  	s3 =	sld [smem:$0x3FFE];
	_ =	sdelay $0x1  }
0x8a: {  	s1 =	srdreg.scid  }
0x8b: {  	s0 =	sand.u32 $0x1, s1  }
0x8c: {  	s17 =	sshll.u32 s0, $0xA;
	s2 =	sadd.s32 s3, s2  }
0x8d: {  	s2 =	sadd.s32 s2, s17  }
0x8e: {  	[smem:$0x3FC4] =	sst s2  }
0x8f: {  	_ = 	snop  }
0x90: {  	s2 =	sld [smem:$0x3FD0];
	(tm) =	ssettm $0x1  }
0x91: {  	s18 =	sld [smem:$0x3FFB];
	_ =	sdelay $0x3  }
0x92: {  	_ =	strace s18  }
0x93: {  	s3 =	sld [smem:$0x3FFC];
	_ =	sdelay $0x3  }
0x94: {  	_ =	strace s3  }
0x95: {  	s3 =	sld [smem:$0x3FFD];
	_ =	sdelay $0x3  }
0x96: {  	_ =	strace s3  }
0x97: {  	_ =	strace $0x8FFFFFFF  }
0x98: {  	s19 =	sld [smem:$0x3FDB];
	_ =	sdelay $0x1  }
0x99: {  	s4 =	simm.s32 $_scs_section_size  }
0x9a: {  	s5 =	simm.s32 $_size__tile_overlayer_lowered;
	s6 =	simm.s32 $_tile_overlayer_lowered  }
0x9b: {  	s22 =	simm.s32 $0x1BFF;
	s21 =	sshll.u32 s6, $0x1;
	s3 =	sadd.s32 s4, s19  }
0x9c: {  	s7 =	simm.s32 $0x0;
	s20 =	sshll.u32 s5, $0x1;
	s5 =	sadd.s32 s21, s3  }
0x9d: {  	[timem:s7], [sflag:s22] =	dma.local [hbm:s5], s20  }
0x9e: {  	_ =	swait.ge [sflag:s22], s20  }
0x9f: {  	s4 =	ssub.s32 $0x0, s20;
	[sflag:s22] =	ssyncset.done $0x0  }
0xa0: {  	[sflag:s22] =	ssyncadd.s32 s4;
	_ =	sdelay $0x1  }
0xa1: {  	s23 =	simm.s32 $0x1B8B  }
0xa2: {  	_ =	swait.ge [sflag:s23], $0x1  }
0xa3: {  	[sflag:s23] =	ssyncset.done $0x0  }
0xa4: {  	s25 =	simm.s32 $0x1B8E;
	s24 =	sld [smem:$0x3FFE];
	[sflag:s23] =	ssyncadd.s32 $0xFFFFFFFF  }
0xa5: {  	s26 =	simm.s32 $execute0_lowered;
	[smem:$0x3FD2] =	sst s25  }
0xa6: {  	s5 =	sshll.u32 s26, $0x1;
	_ =	strace $0x8000004C;
	[dreg:$0x1] =	wrdreg $0xFFFFFFFF  }
0xa7: {  	s28 =	simm.s32 $_size_execute0_lowered;
	s3 =	sadd.s32 s3, s5;
	[dreg:$0x0] =	wrdreg $0x0  }
0xa8: {  	s5 =	sshll.u32 s28, $0x1;
	[dreg:$0x2] =	wrdreg s3  }
0xa9: {  	[dreg:$0x3] =	wrdreg s5  }
0xaa: {  	[dreg:$0x4] =	wrdreg $0xC0  }
0xab: {  	_ =	task [dreg:s7], $0x5FFFF  }
0xac: {  	[dreg:$0x1] =	wrdreg $0xFFFFFFFF  }
0xad: {  	[dreg:$0x0] =	wrdreg $0x60  }
0xae: {  	[dreg:$0x2] =	wrdreg s24  }
0xaf: {  	[dreg:$0x3] =	wrdreg s2  }
0xb0: {  	[dreg:$0x4] =	wrdreg $0x9  }
0xb1: {  	_ =	task.clear_ibuf [dreg:s7], $0x5FFFF;
	_ =	strace $0x9000004C  }
0xb2: {  	s29 =	simm.s32 $0x9;
	_ =	strace $0x8000004E  }
0xb3: {  	_ =	swait.ge [sflag:s29], $0x1  }
0xb4: {  	[sflag:s29] =	ssyncadd.s32 $0xFFFFFFFF  }
0xb5: {  	_ =	strace $0x9000004E  }
0xb6: {  	_ =	sfence  }
0xb7: {  	s30 =	sld [smem:$0x0];
	_ =	sdelay $0x2  }
0xb8: {  	s31 =	sshll.u32 s1, $0xD;
	s1 =	sshrl.u32 s1, $0x2  }
0xb9: {  	s3 =	sand.u32 $0x4000, s31;
	s1 =	sadd.s32 s1, s30  }
0xba: {  	s0 =	sor.u32 s3, s0;
	s1 =	sshll.u32 s1, $0x11  }
0xbb: {  	s0 =	sor.u32 s1, s0  }
0xbc: {  	s0 =	sadd.s32 $0x8F2B, s0  }
0xbd: {  	[sflag:s0] =	ssyncadd.remote.s32 $0x1  }
0xbe: {  	_ =	sfence.sel $0xFFFF  }
0xbf: {  	[dreg:$0x0] =	wrdreg $0xFFFFFFFF;
	(pc) =	sbr.abs _section_cstart, $3  }
0xc0: {  	[dreg:$0x1] =	wrdreg $0xFFFFFFFF  }
0xc1: {  	_ =	task.clear_ibuf [dreg:s7], $0x2FFFF;
	_ =	strace $0x9FFFFFFF  }
0xc2: {  	(tm) =	ssettm $0x7FFFFFFF  }
0xc3: {  	_ =	shalt  }
tec
execute0_lowered:
.L_overlay_start_1:
0x0: {  	(tag) =	ssettag $0x1  }
0x1: {  	s1 =	srdreg.scid;
	s6 =	rddreg [dreg:$0x0]  }
0x2: {  	s0 =	stileid.u32;
	s2 =	rddreg [dreg:$0x1];
	s9 =	simm.s32 $0x100  }
0x3: {  	s10 =	simm.s32 $0x400;
	s11 =	simm.s32 $0x1;
	s5 =	sand.u32 $0x1, s1  }
0x4: {  	s12 =	simm.s32 $0xC800;
	s3 =	sshll.u32 s0, $0x1;
	s1 =	sshll.u32 s5, $0x5  }
0x5: {  	s13 =	simm.s32 $0xFA00;
	s14 =	simm.s32 $0xA000;
	s3 =	sor.u32 s3, s1  }
0x6: {  	s15 =	simm.s32 $0x5000;
	s7 =	sshll.u32 s0, $0x8;
	s4 =	sshrl.u32 s3, $0x3  }
0x7: {  	s16 =	simm.s32 $0x0;
	s7 =	sand.u32 $0x300, s7;
	s4 =	smul.u32 $0x14000, s4  }
0x8: {  	s8 =	ssub.s32 $0x2, s5;
	s5 =	sadd.s32 $0xB200, s6;
	s1 =	rddreg [dreg:$0x2]  }
0x9: {  	s31 =	sshrl.u32 s8, $0x1;
	s3 =	simm.s32 $0x0;
	s7 =	sor.u32 s7, s4  }
0xa: {  	s8 =	ssub.s32 s8, s31;
	[smem:$0x7FF] =	sst s3;
	s7 =	sshrl.u32 s7, $0x3  }
0xb: {  	s8 =	smax.u32 s8, $0x1;
	_ =	strace $0x8000004D;
	s7 =	sadd.s32 s7, s6  }
0xc: {  	s4 =	sadd.s32 $0x1400, s6;
	s6 =	sadd.s32 $0x29000, s7;
	s7 =	sadd.s32 $0x15000, s7  }
.LBB2_1:
0xd: {  	[tilespmem:s3], [sflag:$0x1] =	stream.strided.gather [hbm4b:s6+s9], $0x5000, s10, s9, $0x38;
	[tilespmem:$0x12C00] =	vst v63  }
0xe: {  	_ =	swait.ge [sflag:s11], $0x5000  }
0xf: {  	[sflag:s11] =	ssyncset.done $0x0  }
0x10: {  	[sflag:s11] =	ssyncadd.s32 $0xFFFFB000  }
0x11: {  	[tilespmem:s14], [sflag:$0x1] =	stream.linear.gather [hbm4b:s2+s3], $0x2800, $0x38;
	[tilespmem:$0x12C00] =	vst v63  }
0x12: {  	_ =	swait.ge [sflag:s11], $0x2800  }
0x13: {  	s17 =	sand.u32 $0x70, s3;
	s18 =	sand.u32 $0x7F00, s3;
	[sflag:s11] =	ssyncset.done $0x0  }
0x14: {  	s17 =	sor.u32 s17, s18;
	[sflag:s11] =	ssyncadd.s32 $0xFFFFD800  }
0x15: {  	v0 =	vld [tilespmem:s17+$0x0]  }
0x16: {  	v1 =	vld [tilespmem:s14+$0x0]  }
0x17: {  	v2 =	vld [tilespmem:s17+$0x80];
	_ =	sdelay $0x2  }
0x18: {  	s19 =	simm.s32 $0x10;
	s18 =	simm.s32 $0x20  }
0x19: {  	s19 =	sand.u32 $0x70, s19;
	s20 =	sand.u32 $0x7F00, s18;
	v3 =	vmul.f32 v0, v1  }
0x1a: {  	s21 =	sor.u32 s19, s20;
	v1 =	vmul.f32 v2, v1  }
0x1b: {  	s20 =	simm.s32 $0x20;
	s19 =	simm.s32 $0xA000;
	v0 =	vld [tilespmem:s21+$0x0];
	[tilespmem:s17+$0x5000] =	vst v3  }
.LBB2_2:
0x1c: {  	p0 =	sne.s32 s20, $0x27F0;
	v2 =	vld [tilespmem:s21+$0x80];
	[tilespmem:s17+$0x5080] =	vst v1;
	s19 =	sadd.s32 $0x10, s19;
	s17 =	smov.u32 s21  }
0x1d: {  	v1 =	vld [tilespmem:s19+$0x0];
	_ =	sdelay $0x2  }
.Ltmp0:
0x1e: {  	(pc) =	sbr.rel @p0 .LBB2_2-.Ltmp0, $4  }
0x1f: {  	s18 =	sadd.s32 $0x20, s18  }
0x20: {  	s21 =	sand.u32 $0x70, s20;
	s22 =	sand.u32 $0x7F00, s18;
	v3 =	vmul.f32 v0, v1;
	v1 =	vmul.f32 v2, v1  }
0x21: {  	s21 =	sor.u32 s21, s22  }
0x22: {  	s20 =	sadd.s32 $0x10, s20;
	v0 =	vld [tilespmem:s21+$0x0];
	[tilespmem:s17+$0x5000] =	vst v3  }
0x23: {  	v2 =	vld [tilespmem:s21+$0x80];
	[tilespmem:s17+$0x5080] =	vst v1;
	s31 =	sadd.s32 $0x10, s19  }
0x24: {  	v1 =	vld [tilespmem:s31+$0x0];
	_ =	sdelay $0x4  }
0x25: {  	v0 =	vmul.f32 v0, v1  }
0x26: {  	v1 =	vmul.f32 v2, v1  }
0x27: {  	[tilespmem:s21+$0x5000] =	vst v0  }
0x28: {  	s17 =	simm.s32 $0x0;
	s18 =	simm.s32 $0x0;
	[tilespmem:s21+$0x5080] =	vst v1  }
.LBB2_4:
0x29: {  	s19 =	smul.u32 $0x640, s18;
	_ =	sdelay $0x1  }
0x2a: {  	s20 =	sadd.s32 s4, s19  }
0x2b: {  	[tilespmem:s12], [sflag:$0x1] =	stream.linear.gather [hbm4b:s20+s17], $0x3200, $0x38;
	[tilespmem:$0x12C00] =	vst v63  }
0x2c: {  	_ =	swait.ge [sflag:s11], $0x3200  }
0x2d: {  	[sflag:s11] =	ssyncset.done $0x0  }
0x2e: {  	s19 =	sadd.s32 s5, s19;
	[sflag:s11] =	ssyncadd.s32 $0xFFFFCE00  }
0x2f: {  	[tilespmem:s13], [sflag:$0x1] =	stream.linear.gather [hbm4b:s19+s17], $0x3200, $0x38;
	[tilespmem:$0x12C00] =	vst v63  }
0x30: {  	_ =	swait.ge [sflag:s11], $0x3200  }
0x31: {  	[sflag:s11] =	ssyncset.done $0x0  }
0x32: {  	s19 =	simm.s32 $0x0;
	[sflag:s11] =	ssyncadd.s32 $0xFFFFCE00  }
.LBB2_5:
0x33: {  	s20 =	sshra.s32 s19, $0x2  }
0x34: {  	v0 =	vld [tilespmem:s20+$0xC800];
	_ =	sdelay $0x4  }
0x35: {  	v1 =	vshll.u32 v0, $0x1  }
0x36: {  	v2 =	vand.u32 $0x7F, v0;
	v1 =	vand.u32 $0xFFFFFF00, v1  }
0x37: {  	v3 =	vld [tilespmem:s20+$0xFA00];
	v1 =	vor.u32 v2, v1;
	_ =	sdelay $0x3  }
0x38: {  	v0 =	vld.idx.msk [tilespmem:v0+s14+$0x0], $0xffff  }
0x39: {  	v4 =	vshll.u32 v3, $0x1;
	v2 =	vld.idx.msk [tilespmem:v1+s3+$0x0], $0xffff  }
0x3a: {  	v3 =	vand.u32 $0x7F, v3;
	v4 =	vand.u32 $0xFFFFFF00, v4  }
0x3b: {  	v3 =	vor.u32 v3, v4  }
0x3c: {  	v1 =	vor.u32 $0x80, v1;
	_ =	sdelay $0x1  }
0x3d: {  	v2 =	vmul.f32 v2, v0;
	_ =	sdelay $0x1  }
0x3e: {  	[tilespmem:v3+s15+$0x0] =	vst.idx.add.f32.msk $0xffff, v2  }
0x3f: {  	v1 =	vld.idx.msk [tilespmem:v1+s3+$0x0], $0xffff;
	_ =	sdelay $0x1  }
0x40: {  	v28 =	vor.u32 $0x80, v3;
	_ =	sdelay $0x2  }
0x41: {  	v0 =	vmul.f32 v1, v0;
	_ =	sdelay $0x1  }
0x42: {  	[tilespmem:v28+s15+$0x0] =	vst.idx.add.f32.msk $0xffff, v0  }
0x43: {  	v0 =	vld [tilespmem:s20+$0xC810];
	_ =	sdelay $0x4  }
0x44: {  	v29 =	vshll.u32 v0, $0x1  }
0x45: {  	v30 =	vand.u32 $0x7F, v0;
	v1 =	vand.u32 $0xFFFFFF00, v29  }
0x46: {  	v31 =	vld [tilespmem:s20+$0xFA10];
	v1 =	vor.u32 v30, v1;
	_ =	sdelay $0x3  }
0x47: {  	v0 =	vld.idx.msk [tilespmem:v0+s14+$0x0], $0xffff  }
0x48: {  	v32 =	vshll.u32 v31, $0x1;
	v2 =	vld.idx.msk [tilespmem:v1+s3+$0x0], $0xffff  }
0x49: {  	v3 =	vand.u32 $0x7F, v31;
	v4 =	vand.u32 $0xFFFFFF00, v32  }
0x4a: {  	v3 =	vor.u32 v3, v4  }
0x4b: {  	v1 =	vor.u32 $0x80, v1;
	_ =	sdelay $0x1  }
0x4c: {  	v2 =	vmul.f32 v2, v0;
	_ =	sdelay $0x1  }
0x4d: {  	[tilespmem:v3+s15+$0x0] =	vst.idx.add.f32.msk $0xffff, v2  }
0x4e: {  	v1 =	vld.idx.msk [tilespmem:v1+s3+$0x0], $0xffff;
	_ =	sdelay $0x1  }
0x4f: {  	v33 =	vor.u32 $0x80, v3;
	_ =	sdelay $0x2  }
0x50: {  	v0 =	vmul.f32 v1, v0;
	_ =	sdelay $0x1  }
0x51: {  	[tilespmem:v33+s15+$0x0] =	vst.idx.add.f32.msk $0xffff, v0  }
0x52: {  	v0 =	vld [tilespmem:s20+$0xC820];
	_ =	sdelay $0x4  }
0x53: {  	v34 =	vshll.u32 v0, $0x1  }
0x54: {  	v35 =	vand.u32 $0x7F, v0;
	v1 =	vand.u32 $0xFFFFFF00, v34  }
0x55: {  	v36 =	vld [tilespmem:s20+$0xFA20];
	v1 =	vor.u32 v35, v1;
	_ =	sdelay $0x3  }
0x56: {  	v0 =	vld.idx.msk [tilespmem:v0+s14+$0x0], $0xffff  }
0x57: {  	v37 =	vshll.u32 v36, $0x1;
	v2 =	vld.idx.msk [tilespmem:v1+s3+$0x0], $0xffff  }
0x58: {  	v3 =	vand.u32 $0x7F, v36;
	v4 =	vand.u32 $0xFFFFFF00, v37  }
0x59: {  	v3 =	vor.u32 v3, v4  }
0x5a: {  	v1 =	vor.u32 $0x80, v1;
	_ =	sdelay $0x1  }
0x5b: {  	v2 =	vmul.f32 v2, v0;
	_ =	sdelay $0x1  }
0x5c: {  	[tilespmem:v3+s15+$0x0] =	vst.idx.add.f32.msk $0xffff, v2  }
0x5d: {  	v1 =	vld.idx.msk [tilespmem:v1+s3+$0x0], $0xffff;
	_ =	sdelay $0x1  }
0x5e: {  	v38 =	vor.u32 $0x80, v3;
	_ =	sdelay $0x2  }
0x5f: {  	v0 =	vmul.f32 v1, v0;
	_ =	sdelay $0x1  }
0x60: {  	[tilespmem:v38+s15+$0x0] =	vst.idx.add.f32.msk $0xffff, v0  }
0x61: {  	v0 =	vld [tilespmem:s20+$0xC830];
	_ =	sdelay $0x4  }
0x62: {  	v39 =	vshll.u32 v0, $0x1  }
0x63: {  	v40 =	vand.u32 $0x7F, v0;
	v1 =	vand.u32 $0xFFFFFF00, v39  }
0x64: {  	v41 =	vld [tilespmem:s20+$0xFA30];
	v1 =	vor.u32 v40, v1;
	_ =	sdelay $0x3  }
0x65: {  	v0 =	vld.idx.msk [tilespmem:v0+s14+$0x0], $0xffff  }
0x66: {  	v42 =	vshll.u32 v41, $0x1;
	v2 =	vld.idx.msk [tilespmem:v1+s3+$0x0], $0xffff  }
0x67: {  	v3 =	vand.u32 $0x7F, v41;
	v4 =	vand.u32 $0xFFFFFF00, v42  }
0x68: {  	v3 =	vor.u32 v3, v4  }
0x69: {  	v1 =	vor.u32 $0x80, v1;
	_ =	sdelay $0x1  }
0x6a: {  	v2 =	vmul.f32 v2, v0;
	_ =	sdelay $0x1  }
0x6b: {  	[tilespmem:v3+s15+$0x0] =	vst.idx.add.f32.msk $0xffff, v2  }
0x6c: {  	v1 =	vld.idx.msk [tilespmem:v1+s3+$0x0], $0xffff;
	_ =	sdelay $0x1  }
0x6d: {  	v43 =	vor.u32 $0x80, v3;
	_ =	sdelay $0x2  }
0x6e: {  	v0 =	vmul.f32 v1, v0;
	_ =	sdelay $0x1  }
0x6f: {  	[tilespmem:v43+s15+$0x0] =	vst.idx.add.f32.msk $0xffff, v0  }
0x70: {  	v0 =	vld [tilespmem:s20+$0xC840];
	_ =	sdelay $0x4  }
0x71: {  	v44 =	vshll.u32 v0, $0x1  }
0x72: {  	v45 =	vand.u32 $0x7F, v0;
	v1 =	vand.u32 $0xFFFFFF00, v44  }
0x73: {  	v46 =	vld [tilespmem:s20+$0xFA40];
	v1 =	vor.u32 v45, v1;
	_ =	sdelay $0x3  }
0x74: {  	v0 =	vld.idx.msk [tilespmem:v0+s14+$0x0], $0xffff  }
0x75: {  	v47 =	vshll.u32 v46, $0x1;
	v2 =	vld.idx.msk [tilespmem:v1+s3+$0x0], $0xffff  }
0x76: {  	v3 =	vand.u32 $0x7F, v46;
	v4 =	vand.u32 $0xFFFFFF00, v47  }
0x77: {  	v3 =	vor.u32 v3, v4  }
0x78: {  	v1 =	vor.u32 $0x80, v1;
	_ =	sdelay $0x1  }
0x79: {  	v2 =	vmul.f32 v2, v0;
	_ =	sdelay $0x1  }
0x7a: {  	[tilespmem:v3+s15+$0x0] =	vst.idx.add.f32.msk $0xffff, v2  }
0x7b: {  	v1 =	vld.idx.msk [tilespmem:v1+s3+$0x0], $0xffff;
	_ =	sdelay $0x1  }
0x7c: {  	v48 =	vor.u32 $0x80, v3;
	_ =	sdelay $0x2  }
0x7d: {  	v0 =	vmul.f32 v1, v0;
	_ =	sdelay $0x1  }
0x7e: {  	[tilespmem:v48+s15+$0x0] =	vst.idx.add.f32.msk $0xffff, v0  }
0x7f: {  	v0 =	vld [tilespmem:s20+$0xC850];
	_ =	sdelay $0x4  }
0x80: {  	v49 =	vshll.u32 v0, $0x1  }
0x81: {  	v50 =	vand.u32 $0x7F, v0;
	v1 =	vand.u32 $0xFFFFFF00, v49  }
0x82: {  	v51 =	vld [tilespmem:s20+$0xFA50];
	v1 =	vor.u32 v50, v1;
	_ =	sdelay $0x3  }
0x83: {  	v0 =	vld.idx.msk [tilespmem:v0+s14+$0x0], $0xffff  }
0x84: {  	v52 =	vshll.u32 v51, $0x1;
	v2 =	vld.idx.msk [tilespmem:v1+s3+$0x0], $0xffff  }
0x85: {  	v3 =	vand.u32 $0x7F, v51;
	v4 =	vand.u32 $0xFFFFFF00, v52  }
0x86: {  	v3 =	vor.u32 v3, v4  }
0x87: {  	v1 =	vor.u32 $0x80, v1;
	_ =	sdelay $0x1  }
0x88: {  	v2 =	vmul.f32 v2, v0;
	_ =	sdelay $0x1  }
0x89: {  	[tilespmem:v3+s15+$0x0] =	vst.idx.add.f32.msk $0xffff, v2  }
0x8a: {  	v1 =	vld.idx.msk [tilespmem:v1+s3+$0x0], $0xffff;
	_ =	sdelay $0x1  }
0x8b: {  	v53 =	vor.u32 $0x80, v3;
	_ =	sdelay $0x2  }
0x8c: {  	v0 =	vmul.f32 v1, v0;
	_ =	sdelay $0x1  }
0x8d: {  	[tilespmem:v53+s15+$0x0] =	vst.idx.add.f32.msk $0xffff, v0  }
0x8e: {  	v0 =	vld [tilespmem:s20+$0xC860];
	_ =	sdelay $0x4  }
0x8f: {  	v54 =	vshll.u32 v0, $0x1  }
0x90: {  	v55 =	vand.u32 $0x7F, v0;
	v1 =	vand.u32 $0xFFFFFF00, v54  }
0x91: {  	v56 =	vld [tilespmem:s20+$0xFA60];
	v1 =	vor.u32 v55, v1;
	_ =	sdelay $0x3  }
0x92: {  	v0 =	vld.idx.msk [tilespmem:v0+s14+$0x0], $0xffff  }
0x93: {  	v57 =	vshll.u32 v56, $0x1;
	v2 =	vld.idx.msk [tilespmem:v1+s3+$0x0], $0xffff  }
0x94: {  	v3 =	vand.u32 $0x7F, v56;
	v4 =	vand.u32 $0xFFFFFF00, v57  }
0x95: {  	v3 =	vor.u32 v3, v4  }
0x96: {  	v1 =	vor.u32 $0x80, v1;
	_ =	sdelay $0x1  }
0x97: {  	v2 =	vmul.f32 v2, v0;
	_ =	sdelay $0x1  }
0x98: {  	[tilespmem:v3+s15+$0x0] =	vst.idx.add.f32.msk $0xffff, v2  }
0x99: {  	v1 =	vld.idx.msk [tilespmem:v1+s3+$0x0], $0xffff;
	_ =	sdelay $0x1  }
0x9a: {  	v58 =	vor.u32 $0x80, v3;
	_ =	sdelay $0x2  }
0x9b: {  	v0 =	vmul.f32 v1, v0;
	_ =	sdelay $0x1  }
0x9c: {  	[tilespmem:v58+s15+$0x0] =	vst.idx.add.f32.msk $0xffff, v0  }
0x9d: {  	v0 =	vld [tilespmem:s20+$0xC870];
	_ =	sdelay $0x4  }
0x9e: {  	v59 =	vshll.u32 v0, $0x1  }
0x9f: {  	v60 =	vand.u32 $0x7F, v0;
	v1 =	vand.u32 $0xFFFFFF00, v59  }
0xa0: {  	v61 =	vld [tilespmem:s20+$0xFA70];
	v1 =	vor.u32 v60, v1;
	_ =	sdelay $0x3  }
0xa1: {  	v0 =	vld.idx.msk [tilespmem:v0+s14+$0x0], $0xffff  }
0xa2: {  	v62 =	vshll.u32 v61, $0x1;
	v2 =	vld.idx.msk [tilespmem:v1+s3+$0x0], $0xffff  }
0xa3: {  	v3 =	vand.u32 $0x7F, v61;
	v4 =	vand.u32 $0xFFFFFF00, v62  }
0xa4: {  	v3 =	vor.u32 v3, v4  }
0xa5: {  	v1 =	vor.u32 $0x80, v1;
	_ =	sdelay $0x1  }
0xa6: {  	v2 =	vmul.f32 v2, v0;
	_ =	sdelay $0x1  }
0xa7: {  	[tilespmem:v3+s15+$0x0] =	vst.idx.add.f32.msk $0xffff, v2  }
0xa8: {  	v1 =	vld.idx.msk [tilespmem:v1+s3+$0x0], $0xffff;
	_ =	sdelay $0x1  }
0xa9: {  	p0 =	sne.s32 s19, $0xC600;
	v63 =	vor.u32 $0x80, v3  }
.Ltmp1:
0xaa: {  	_ = 	snop;
	(pc) =	sbr.rel @p0 .LBB2_5-.Ltmp1, $3  }
0xab: {  	_ = 	snop  }
0xac: {  	v0 =	vmul.f32 v1, v0;
	_ =	sdelay $0x1  }
0xad: {  	s19 =	sadd.s32 $0x200, s19;
	[tilespmem:v63+s15+$0x0] =	vst.idx.add.f32.msk $0xffff, v0  }
0xae: {  	s18 =	sadd.s32 $0x1, s18  }
0xaf: {  	p0 =	sne.s32 s18, $0x19  }
.Ltmp2:
0xb0: {  	_ = 	snop;
	(pc) =	sbr.rel @p0 .LBB2_4-.Ltmp2, $1  }
0xb1: {  	_ =	sdelay $0x3  }
0xb2: {  	s16 =	sadd.s32 $0x1, s16  }
0xb3: {  	p0 =	sne.s32 s16, s8  }
.Ltmp3:
0xb4: {  	_ = 	snop;
	(pc) =	sbr.rel @p0 .LBB2_1-.Ltmp3, $4  }
0xb5: {  	[hbm4b:s7+s9] =	stream.strided.scatter [tilespmem:s15], [sflag:$0x1], $0x5000, s10, s9, $0x38;
	[tilespmem:$0x12C00] =	vst v63  }
0xb6: {  	_ =	swait.ge [sflag:s11], $0x5000  }
0xb7: {  	[sflag:s11] =	ssyncset.done $0x0  }
0xb8: {  	[sflag:s11] =	ssyncadd.s32 $0xFFFFB000  }
0xb9: {  	_ =	sfence.sel $0x180000  }
0xba: {  	[bflag:$0x0] =	sbarrier.arrive $0xFFFF  }
0xbb: {  	p0 =	sne.s32 s0, $0x0;
	_ =	strace $0x9000004D  }
0xbc: {  	s0 =	sadd.s32 @!p0 $0x100000, s1;
	[bflag:$0x2] =	sbarrier.arrive $0xFFFF  }
0xbd: {  	[sflag:s0] =	ssyncadd.tile.s32 @!p0 $0x1;
	_ =	shalt  }
.Lfunc_end2:
_tile_overlayer_lowered:
.L_overlay_start_2:
0xbe: {  	(tag) =	ssettag $0x2  }
0xbf: {  	s0 =	rddreg [dreg:$0x0];
	s2 =	stileid.u32  }
0xc0: {  	s1 =	rddreg [dreg:$0x1];
	p0 =	sne.s32 s2, $0x0  }
0xc1: {  	s3 =	rddreg [dreg:$0x2];
	[bflag:$0x3] =	sbarrier.arrive $0xFFFF;
	s2 =	simm.s32 @!p0 $0x1C01  }
0xc2: {  	[timem:s3], [sflag:s2] =	dma.local @!p0 [hbm:s0], s1  }
0xc3: {  	s0 =	simm.s32 @!p0 $0x1  }
0xc4: {  	_ =	swait.ge @!p0 [sflag:s0], s1  }
0xc5: {  	s1 =	ssub.s32 @!p0 $0x0, s1;
	[sflag:s0] =	ssyncset.done @!p0 $0x0  }
0xc6: {  	[sflag:s0] =	ssyncadd.s32 @!p0 s1  }
0xc7: {  	[bflag:$0x3] =	sbarrier.arrive $0xFFFF  }
0xc8: {  	_ =	shalt  }

// kernel: kernel.7.cloned.1.call-start
scs
__scs_entry_jumppad:
0x0: {  	(pc) =	sbr.rel $0x88, $3  }
0x1: {  	(tag) =	ssettag $0x0;
	lr =	simm.s32 $0x1  }
0x2: {  	[smem:$0x3F9D] =	sst lr;
	_ =	strace $0xD0000000  }
0x3: {  	_ = 	snop  }
0x4: {  	_ = 	snop  }
0x5: {  	_ = 	snop  }
0x6: {  	_ = 	snop  }
0x7: {  	_ = 	snop  }
__scs_overlays_trampoline_lowered:
0x8: {  	[smem:$0x3FAC] =	sst s0  }
0x9: {  	[smem:$0x3FAD] =	sst s1  }
0xa: {  	[smem:$0x3FAE] =	sst s2  }
0xb: {  	[smem:$0x3FAF] =	sst s3  }
0xc: {  	[smem:$0x3FB0] =	sst s4  }
0xd: {  	[smem:$0x3FB1] =	sst s5  }
0xe: {  	[smem:$0x3FB2] =	sst s6  }
0xf: {  	[smem:$0x3FB3] =	sst s7  }
0x10: {  	[smem:$0x3FB4] =	sst s8  }
0x11: {  	[smem:$0x3FB5] =	sst s9;
	s0 =	simm.s32 @!p0 $0x0  }
0x12: {  	s1 =	sld [smem:$0x3F9B];
	s0 =	simm.s32 @p0 $0x1  }
0x13: {  	[smem:$0x3FB6] =	sst s0;
	s0 =	simm.s32 @!p1 $0x0  }
0x14: {  	s2 =	sld [smem:$0x3F9A];
	s0 =	simm.s32 @p1 $0x1  }
0x15: {  	[smem:$0x3FB7] =	sst s0;
	s0 =	simm.s32 @!p2 $0x0  }
0x16: {  	s3 =	sld [smem:$0x3FDB];
	s0 =	simm.s32 @p2 $0x1  }
0x17: {  	s4 =	simm.s32 $0x1BF5;
	[smem:$0x3FB9] =	sst s0  }
0x18: {  	s0 =	sld [smem:$0x3F9C];
	_ =	swait.ge [sflag:s4], $0x0  }
0x19: {  	s7 =	sld [smem:$0x3F9D]  }
0x1a: {  	s8 =	sadd.s32 $0xFFFFE003, lr  }
0x1b: {  	s9 =	sadd.s32 $0xFFFFFEF7, lr;
	s5 =	simm.s32 $0xFFFFFFFF;
	p2 =	slt.u32 s8, $0xFFFFF086  }
0x1c: {  	p1 =	slt.u32 s9, $0xF7A;
	s5 =	simm.s32 @!p2 $0x0  }
0x1d: {  	s5 =	simm.s32 @p1 $0x1;
	p0 =	seq.s32 s7, s2  }
0x1e: {  	s7 =	smul.u32 @!p0 $0xF7A, s2;
	p2 =	seq.s32 @!p0 s5, $0x0  }
0x1f: {  	s9 =	smul.u32 $0xF7A, s1;
	s8 =	simm.s32 @!p0 $0x1BF5;
	p2 =	por !p2, p0  }
0x20: {  	[sflag:s8] =	ssyncset.s32 @!p0 $0xFFFFF086;
	s6 =	sadd.s32 @!p0 s3, s7;
	s7 =	simm.s32 @!p0 $0x108  }
0x21: {  	s3 =	sadd.s32 s3, s9;
	s6 =	sadd.s32 @!p0 $0x88, s6;
	s7 =	simm.s32 @p2 $0x1082  }
0x22: {  	[simem:s7], [sflag:s8] =	dma.local @!p0 [hbm:s6], $0xF7A  }
0x23: {  	s9 =	sor.u32 $0xD0000000, s2;
	s6 =	simm.s32 $0x108;
	_ =	swait.ge @!p0 [sflag:s8], $0x0  }
0x24: {  	s3 =	sadd.s32 $0x88, s3;
	s6 =	simm.s32 @!p1 $0x1082;
	[sflag:s4] =	ssyncset.s32 $0xFFFFF086  }
0x25: {  	[simem:s6], [sflag:s4] =	dma.local [hbm:s3], $0xF7A  }
0x26: {  	[smem:$0x3F9D] =	sst s1;
	(tag) =	ssettag s2;
	_ =	strace s9  }
0x27: {  	s1 =	sld [smem:$0x3FAD]  }
0x28: {  	s2 =	sld [smem:$0x3FAE]  }
0x29: {  	s4 =	sld [smem:$0x3FB0]  }
0x2a: {  	p0 =	seq.s32 s5, $0x0;
	s5 =	sld [smem:$0x3FB1]  }
0x2b: {  	s6 =	sld [smem:$0x3FB2]  }
0x2c: {  	s7 =	sld [smem:$0x3FB3]  }
0x2d: {  	s3 =	simm.s32 $0x108;
	s8 =	sld [smem:$0x3FB4]  }
0x2e: {  	s3 =	simm.s32 @!p0 $0x1082;
	s9 =	sld [smem:$0x3FB5]  }
0x2f: {  	lr =	sadd.s32 s0, s3;
	s0 =	sld [smem:$0x3FAC]  }
0x30: {  	s3 =	sld [smem:$0x3FAF]  }
0x31: {  	[smem:$0x3FB8] =	sst s10  }
0x32: {  	s10 =	sld [smem:$0x3FB6];
	_ =	sdelay $0x3  }
0x33: {  	p0 =	seq.s32 s10, $0x1;
	s10 =	sld [smem:$0x3FB8];
	_ =	sdelay $0x3  }
0x34: {  	[smem:$0x3FB8] =	sst s10  }
0x35: {  	s10 =	sld [smem:$0x3FB7];
	_ =	sdelay $0x3  }
0x36: {  	p1 =	seq.s32 s10, $0x1;
	s10 =	sld [smem:$0x3FB8];
	_ =	sdelay $0x3  }
0x37: {  	[smem:$0x3FB8] =	sst s10  }
0x38: {  	s10 =	sld [smem:$0x3FB9]  }
0x39: {  	_ = 	snop;
	(pc) =	sbr.ind lr, $3  }
0x3a: {  	_ = 	snop  }
0x3b: {  	_ = 	snop  }
0x3c: {  	p2 =	seq.s32 s10, $0x1;
	s10 =	sld [smem:$0x3FB8]  }
0x3d: {  	_ =	shalt  }
0x3e: {  	_ =	shalt  }
0x3f: {  	_ =	shalt  }
0x40: {  	_ =	shalt  }
0x41: {  	_ =	shalt  }
0x42: {  	_ =	shalt  }
0x43: {  	_ =	shalt  }
0x44: {  	_ =	shalt  }
0x45: {  	_ =	shalt  }
0x46: {  	_ =	shalt  }
0x47: {  	_ =	shalt  }
0x48: {  	_ =	shalt  }
0x49: {  	_ =	shalt  }
0x4a: {  	_ =	shalt  }
0x4b: {  	_ =	shalt  }
0x4c: {  	_ =	shalt  }
0x4d: {  	_ =	shalt  }
0x4e: {  	_ =	shalt  }
0x4f: {  	_ =	shalt  }
0x50: {  	_ =	shalt  }
0x51: {  	_ =	shalt  }
0x52: {  	_ =	shalt  }
0x53: {  	_ =	shalt  }
0x54: {  	_ =	shalt  }
0x55: {  	_ =	shalt  }
0x56: {  	_ =	shalt  }
0x57: {  	_ =	shalt  }
0x58: {  	_ =	shalt  }
0x59: {  	_ =	shalt  }
0x5a: {  	_ =	shalt  }
0x5b: {  	_ =	shalt  }
0x5c: {  	_ =	shalt  }
0x5d: {  	_ =	shalt  }
0x5e: {  	_ =	shalt  }
0x5f: {  	_ =	shalt  }
0x60: {  	_ =	shalt  }
0x61: {  	_ =	shalt  }
0x62: {  	_ =	shalt  }
0x63: {  	_ =	shalt  }
0x64: {  	_ =	shalt  }
0x65: {  	_ =	shalt  }
0x66: {  	_ =	shalt  }
0x67: {  	_ =	shalt  }
0x68: {  	_ =	shalt  }
0x69: {  	_ =	shalt  }
0x6a: {  	_ =	shalt  }
0x6b: {  	_ =	shalt  }
0x6c: {  	_ =	shalt  }
0x6d: {  	_ =	shalt  }
0x6e: {  	_ =	shalt  }
0x6f: {  	_ =	shalt  }
0x70: {  	_ =	shalt  }
0x71: {  	_ =	shalt  }
0x72: {  	_ =	shalt  }
0x73: {  	_ =	shalt  }
0x74: {  	_ =	shalt  }
0x75: {  	_ =	shalt  }
0x76: {  	_ =	shalt  }
0x77: {  	_ =	shalt  }
0x78: {  	_ =	shalt  }
0x79: {  	_ =	shalt  }
0x7a: {  	_ =	shalt  }
0x7b: {  	_ =	shalt  }
0x7c: {  	_ =	shalt  }
0x7d: {  	_ =	shalt  }
0x7e: {  	_ =	shalt  }
0x7f: {  	_ =	shalt  }
0x80: {  	_ =	shalt  }
0x81: {  	_ =	shalt  }
0x82: {  	_ =	shalt  }
0x83: {  	_ =	shalt  }
0x84: {  	_ =	shalt  }
0x85: {  	_ =	shalt  }
0x86: {  	_ =	shalt  }
0x87: {  	_ =	shalt  }
.Lfunc_end0:
.L_simem_size_0:
called_computation_lowered:
.L_overlay_start_0:
0x88: {  	s2 =	sld [smem:$0x3FD9]  }
0x89: {  	s3 =	sld [smem:$0x3FFE];
	_ =	sdelay $0x1  }
0x8a: {  	s1 =	srdreg.scid  }
0x8b: {  	s0 =	sand.u32 $0x1, s1  }
0x8c: {  	s17 =	sshll.u32 s0, $0xA;
	s2 =	sadd.s32 s3, s2  }
0x8d: {  	s2 =	sadd.s32 s2, s17  }
0x8e: {  	[smem:$0x3FC4] =	sst s2  }
0x8f: {  	_ = 	snop  }
0x90: {  	s2 =	sld [smem:$0x3FD0];
	(tm) =	ssettm $0x1  }
0x91: {  	s18 =	sld [smem:$0x3FFB];
	_ =	sdelay $0x3  }
0x92: {  	_ =	strace s18  }
0x93: {  	s3 =	sld [smem:$0x3FFC];
	_ =	sdelay $0x3  }
0x94: {  	_ =	strace s3  }
0x95: {  	s3 =	sld [smem:$0x3FFD];
	_ =	sdelay $0x3  }
0x96: {  	_ =	strace s3  }
0x97: {  	_ =	strace $0x8FFFFFFF  }
0x98: {  	s19 =	sld [smem:$0x3FDB];
	_ =	sdelay $0x1  }
0x99: {  	s4 =	simm.s32 $_scs_section_size  }
0x9a: {  	s5 =	simm.s32 $_size__tile_overlayer_lowered;
	s6 =	simm.s32 $_tile_overlayer_lowered  }
0x9b: {  	s22 =	simm.s32 $0x1BFF;
	s21 =	sshll.u32 s6, $0x1;
	s3 =	sadd.s32 s4, s19  }
0x9c: {  	s7 =	simm.s32 $0x0;
	s20 =	sshll.u32 s5, $0x1;
	s5 =	sadd.s32 s21, s3  }
0x9d: {  	[timem:s7], [sflag:s22] =	dma.local [hbm:s5], s20  }
0x9e: {  	_ =	swait.ge [sflag:s22], s20  }
0x9f: {  	s4 =	ssub.s32 $0x0, s20;
	[sflag:s22] =	ssyncset.done $0x0  }
0xa0: {  	[sflag:s22] =	ssyncadd.s32 s4;
	_ =	sdelay $0x1  }
0xa1: {  	s23 =	simm.s32 $0x1B8B  }
0xa2: {  	_ =	swait.ge [sflag:s23], $0x1  }
0xa3: {  	[sflag:s23] =	ssyncset.done $0x0  }
0xa4: {  	s25 =	simm.s32 $0x1B8E;
	s24 =	sld [smem:$0x3FFE];
	[sflag:s23] =	ssyncadd.s32 $0xFFFFFFFF  }
0xa5: {  	s26 =	simm.s32 $execute0_lowered;
	[smem:$0x3FD2] =	sst s25  }
0xa6: {  	s5 =	sshll.u32 s26, $0x1;
	_ =	strace $0x80000046;
	[dreg:$0x1] =	wrdreg $0xFFFFFFFF  }
0xa7: {  	s28 =	simm.s32 $_size_execute0_lowered;
	s3 =	sadd.s32 s3, s5;
	[dreg:$0x0] =	wrdreg $0x0  }
0xa8: {  	s5 =	sshll.u32 s28, $0x1;
	[dreg:$0x2] =	wrdreg s3  }
0xa9: {  	[dreg:$0x3] =	wrdreg s5  }
0xaa: {  	[dreg:$0x4] =	wrdreg $0xC0  }
0xab: {  	_ =	task [dreg:s7], $0x5FFFF  }
0xac: {  	[dreg:$0x1] =	wrdreg $0xFFFFFFFF  }
0xad: {  	[dreg:$0x0] =	wrdreg $0x60  }
0xae: {  	[dreg:$0x2] =	wrdreg s24  }
0xaf: {  	[dreg:$0x3] =	wrdreg s2  }
0xb0: {  	[dreg:$0x4] =	wrdreg $0x9  }
0xb1: {  	_ =	task.clear_ibuf [dreg:s7], $0x5FFFF;
	_ =	strace $0x90000046  }
0xb2: {  	s29 =	simm.s32 $0x9;
	_ =	strace $0x80000048  }
0xb3: {  	_ =	swait.ge [sflag:s29], $0x1  }
0xb4: {  	[sflag:s29] =	ssyncadd.s32 $0xFFFFFFFF  }
0xb5: {  	_ =	strace $0x90000048  }
0xb6: {  	_ =	sfence  }
0xb7: {  	s30 =	sld [smem:$0x0];
	_ =	sdelay $0x2  }
0xb8: {  	s31 =	sshll.u32 s1, $0xD;
	s1 =	sshrl.u32 s1, $0x2  }
0xb9: {  	s3 =	sand.u32 $0x4000, s31;
	s1 =	sadd.s32 s1, s30  }
0xba: {  	s0 =	sor.u32 s3, s0;
	s1 =	sshll.u32 s1, $0x11  }
0xbb: {  	s0 =	sor.u32 s1, s0  }
0xbc: {  	s0 =	sadd.s32 $0x8F2B, s0  }
0xbd: {  	[sflag:s0] =	ssyncadd.remote.s32 $0x1  }
0xbe: {  	_ =	sfence.sel $0xFFFF  }
0xbf: {  	[dreg:$0x0] =	wrdreg $0xFFFFFFFF;
	(pc) =	sbr.abs _section_cstart, $3  }
0xc0: {  	[dreg:$0x1] =	wrdreg $0xFFFFFFFF  }
0xc1: {  	_ =	task.clear_ibuf [dreg:s7], $0x2FFFF;
	_ =	strace $0x9FFFFFFF  }
0xc2: {  	(tm) =	ssettm $0x7FFFFFFF  }
0xc3: {  	_ =	shalt  }
tec
execute0_lowered:
.L_overlay_start_1:
0x0: {  	(tag) =	ssettag $0x1  }
0x1: {  	s0 =	srdreg.scid;
	s3 =	rddreg [dreg:$0x0]  }
0x2: {  	s5 =	rddreg [dreg:$0x1];
	s1 =	stileid.u32;
	s4 =	sand.u32 $0x1, s0  }
0x3: {  	s9 =	simm.s32 $0x400;
	s0 =	rddreg [dreg:$0x2];
	s2 =	sshll.u32 s4, $0x4  }
0x4: {  	s8 =	sshll.u32 s1, $0x7;
	s4 =	ssub.s32 $0x2, s4;
	s6 =	sor.u32 s1, s2  }
0x5: {  	s2 =	simm.s32 $0x0;
	s7 =	smul.u32 $0x4E2, s6;
	s6 =	sshrl.u32 s6, $0x3  }
0x6: {  	s8 =	sand.u32 $0x380, s8;
	[smem:$0x7FF] =	sst s2;
	s6 =	smul.u32 $0x14000, s6  }
0x7: {  	s30 =	sshrl.u32 s4, $0x1;
	_ =	strace $0x80000047;
	s3 =	sadd.s32 s7, s3  }
0x8: {  	s7 =	ssub.s32 s4, s30;
	s6 =	sor.u32 s8, s6;
	s3 =	sadd.s32 $0xB200, s3  }
0x9: {  	s8 =	simm.s32 $0x80;
	s31 =	sshrl.u32 s6, $0x3;
	s6 =	simm.s32 $0x1  }
0xa: {  	v0 =	vimm.f32 $0.0e+00;
	v1 =	vimm.f32 $1.000000000e+00;
	s4 =	sadd.s32 s5, s31;
	s5 =	smax.u32 s7, $0x1;
	s7 =	simm.s32 $0x2780  }
.LBB2_1:
0xb: {  	s10 =	simm.s32 $0x40;
	s11 =	simm.s32 $0x0  }
.LBB2_2:
0xc: {  	p0 =	sne.s32 s10, $0x9FC0;
	[tilespmem:s11+$0x2780] =	vst v0;
	s11 =	smov.u32 s10;
	s10 =	sadd.s32 $0x40, s10  }
.Ltmp0:
0xd: {  	(pc) =	sbr.rel @p0 .LBB2_2-.Ltmp0, $2  }
0xe: {  	_ =	sdelay $0x2  }
0xf: {  	s11 =	sshra.s32 s11, $0x2  }
0x10: {  	[tilespmem:s11+$0x2780] =	vst v0;
	s10 =	simm.s32 $0x0  }
0x11: {  	[tilespmem:s10], [sflag:$0x1] =	stream.linear.gather [hbm4b:s3+s10], $0x2710, $0x38;
	[tilespmem:$0x4F80] =	vst v63  }
0x12: {  	_ =	swait.ge [sflag:s6], $0x2710  }
0x13: {  	[sflag:s6] =	ssyncset.done $0x0  }
0x14: {  	s11 =	simm.s32 $0x0;
	s10 =	simm.s32 $0x40;
	[sflag:s6] =	ssyncadd.s32 $0xFFFFD8F0  }
.LBB2_4:
0x15: {  	p0 =	sne.s32 s10, $0x9C00;
	v2 =	vld [tilespmem:s11+$0x0];
	_ =	sdelay $0x3  }
.Ltmp1:
0x16: {  	(pc) =	sbr.rel @p0 .LBB2_4-.Ltmp1, $2  }
0x17: {  	_ =	sdelay $0x2  }
0x18: {  	s11 =	sshra.s32 s10, $0x2;
	s10 =	sadd.s32 $0x40, s10;
	[tilespmem:v2+s7+$0x0] =	vst.idx.add.f32.msk $0xffff, v1  }
0x19: {  	v2 =	vld [tilespmem:s11+$0x0];
	_ =	sdelay $0x5  }
0x1a: {  	s2 =	sadd.s32 $0x1, s2  }
0x1b: {  	p0 =	sne.s32 s2, s5  }
.Ltmp2:
0x1c: {  	[tilespmem:v2+s7+$0x0] =	vst.idx.add.f32.msk $0xffff, v1;
	(pc) =	sbr.rel @p0 .LBB2_1-.Ltmp2, $4  }
0x1d: {  	[hbm4b:s4+s8] =	stream.strided.scatter [tilespmem:s7], [sflag:$0x1], $0x2800, s9, s8, $0x38;
	[tilespmem:$0x4F80] =	vst v63  }
0x1e: {  	_ =	swait.ge [sflag:s6], $0x2800  }
0x1f: {  	[sflag:s6] =	ssyncset.done $0x0  }
0x20: {  	[sflag:s6] =	ssyncadd.s32 $0xFFFFD800  }
0x21: {  	_ =	sfence.sel $0x180000  }
0x22: {  	[bflag:$0x0] =	sbarrier.arrive $0xFFFF  }
0x23: {  	p0 =	sne.s32 s1, $0x0;
	_ =	strace $0x90000047  }
0x24: {  	s0 =	sadd.s32 @!p0 $0x100000, s0;
	[bflag:$0x2] =	sbarrier.arrive $0xFFFF  }
0x25: {  	[sflag:s0] =	ssyncadd.tile.s32 @!p0 $0x1;
	_ =	shalt  }
.Lfunc_end2:
_tile_overlayer_lowered:
.L_overlay_start_2:
0x26: {  	(tag) =	ssettag $0x2  }
0x27: {  	s0 =	rddreg [dreg:$0x0];
	s2 =	stileid.u32  }
0x28: {  	s1 =	rddreg [dreg:$0x1];
	p0 =	sne.s32 s2, $0x0  }
0x29: {  	s3 =	rddreg [dreg:$0x2];
	[bflag:$0x3] =	sbarrier.arrive $0xFFFF;
	s2 =	simm.s32 @!p0 $0x1C01  }
0x2a: {  	[timem:s3], [sflag:s2] =	dma.local @!p0 [hbm:s0], s1  }
0x2b: {  	s0 =	simm.s32 @!p0 $0x1  }
0x2c: {  	_ =	swait.ge @!p0 [sflag:s0], s1  }
0x2d: {  	s1 =	ssub.s32 @!p0 $0x0, s1;
	[sflag:s0] =	ssyncset.done @!p0 $0x0  }
0x2e: {  	[sflag:s0] =	ssyncadd.s32 @!p0 s1  }
0x2f: {  	[bflag:$0x3] =	sbarrier.arrive $0xFFFF  }
0x30: {  	_ =	shalt  }

</sc_bundles>
